<compile_context>
chip_gen: v7x
topology: tpu7x:2x2x1
jax: 0.10.2.dev20260603
libtpu: 0.0.44.dev20260713+nightly
codegen_flags: <defaults>
</compile_context>

<pallas_src>
import functools
import math

import jax
import jax.numpy as jnp
from jax import lax
from jax.experimental import pallas as pl
from jax.experimental.pallas import tpu as pltpu
from jax.experimental.pallas import tpu_sc as plsc

H = 128
R = 16
INV3 = 1.0 / math.sqrt(3.0)
INVH = 1.0 / math.sqrt(H)
SSCALE = 1.0 / 0.6

NC = 2
NS = 16
NW = NC * NS
CHUNK = 32

PAY = 12 * H
POOL = 5 * H
BATOM = 512


def _ssilu(x):
    return x * jax.nn.sigmoid(x) * SSCALE


def _dot(x, w):
    return lax.dot_general(x, w, (((1,), (1,)), ((), ())),
                           preferred_element_type=jnp.float32)


def _payload_kernel(s_ref, v_ref, w1b_ref, wv_ref, out_ref):
    for ax in range(3):
        w1b = w1b_ref[ax * H:(ax + 1) * H, :]
        out_ref[:, ax * H:(ax + 1) * H] = _dot(s_ref[:, ax * H:(ax + 1) * H], w1b)
        wv = wv_ref[ax * H:(ax + 1) * H, :]
        for d in range(3):
            c = ax * 3 + d
            out_ref[:, 3 * H + c * H:3 * H + (c + 1) * H] = _dot(
                v_ref[:, c * H:(c + 1) * H], wv)


def _build_payload(s_flat, v_flat, w1b, wv, G):
    BG = 256
    return pl.pallas_call(
        _payload_kernel,
        grid=(G // BG,),
        in_specs=[
            pl.BlockSpec((BG, 3 * H), lambda i: (i, 0)),
            pl.BlockSpec((BG, 9 * H), lambda i: (i, 0)),
            pl.BlockSpec((3 * H, H), lambda i: (0, 0)),
            pl.BlockSpec((3 * H, H), lambda i: (0, 0)),
        ],
        out_specs=pl.BlockSpec((BG, PAY), lambda i: (i, 0)),
        out_shape=jax.ShapeDtypeStruct((G, PAY), jnp.float32),
    )(s_flat, v_flat, w1b, wv)


def _make_gather(Npad):
    b_per_w = Npad // NW
    npair = b_per_w // (2 * CHUNK)
    mesh = plsc.VectorSubcoreMesh(core_axis_name="c", subcore_axis_name="s")

    @functools.partial(
        pl.kernel, mesh=mesh,
        out_type=jax.ShapeDtypeStruct((Npad, PAY), jnp.float32),
        scratch_types=[
            pltpu.VMEM((b_per_w,), jnp.int32),
            pltpu.VMEM((CHUNK, PAY), jnp.float32),
            pltpu.VMEM((CHUNK, PAY), jnp.float32),
            pltpu.SemaphoreType.DMA,
            pltpu.SemaphoreType.DMA,
            pltpu.SemaphoreType.DMA,
            pltpu.SemaphoreType.DMA,
        ],
    )
    def gather_k(table_hbm, idx_hbm, out_hbm, idx_all, rows0, rows1,
                 sg0, sg1, sw0, sw1):
        wid = lax.axis_index("s") * NC + lax.axis_index("c")
        base = wid * b_per_w
        pltpu.sync_copy(idx_hbm.at[pl.ds(base, b_per_w)], idx_all)

        def body(t, carry):
            l0 = (2 * t) * CHUNK
            l1 = l0 + CHUNK
            g0 = pltpu.async_copy(
                table_hbm.at[idx_all.at[pl.ds(l0, CHUNK)]], rows0, sg0)
            g1 = pltpu.async_copy(
                table_hbm.at[idx_all.at[pl.ds(l1, CHUNK)]], rows1, sg1)
            g0.wait()
            w0 = pltpu.async_copy(rows0, out_hbm.at[pl.ds(base + l0, CHUNK)], sw0)
            g1.wait()
            w1 = pltpu.async_copy(rows1, out_hbm.at[pl.ds(base + l1, CHUNK)], sw1)
            w0.wait()
            w1.wait()
            return carry

        lax.fori_loop(0, npair, body, 0)

    return gather_k


def _atom_kernel(N_real, B, G,
                 s_ref, v_ref, feat_ref, dir_ref, pay_ref, batch_ref,
                 wm1_ref, bm1_ref, wm2_ref, bm2_ref, wr_ref, br_ref,
                 w1a_ref, b1_ref, w2_ref, b2_ref, wv_ref,
                 out_ref):
    a_s = s_ref[...]
    a_v = [v_ref[:, d * H:(d + 1) * H] for d in range(3)]
    for ax in range(3):
        wm1 = wm1_ref[ax * H:(ax + 1) * H, :]
        wm2 = wm2_ref[ax * 3 * H:(ax + 1) * 3 * H, :]
        wr = wr_ref[ax * 3 * H:(ax + 1) * 3 * H, :]
        atom_proj = _dot(_ssilu(_dot(a_s, wm1) + bm1_ref[ax:ax + 1, :]),
                         wm2) + bm2_ref[ax:ax + 1, :]
        edge_proj = _dot(feat_ref[:, ax * R:(ax + 1) * R], wr) + br_ref[ax:ax + 1, :]
        m = atom_proj * edge_proj * INV3
        m1 = m[:, :H]
        m2 = m[:, H:2 * H]
        a_s = a_s + m[:, 2 * H:]
        for d in range(3):
            edir = dir_ref[:, ax * 3 + d:ax * 3 + d + 1]
            a_v[d] = (m1 * a_v[d] + m2 * edir) * INVH
        w1a = w1a_ref[ax * H:(ax + 1) * H, :]
        w2 = w2_ref[ax * H:(ax + 1) * H, :]
        sproj = pay_ref[:, ax * H:(ax + 1) * H]
        h = _ssilu(_dot(a_s, w1a) + sproj + b1_ref[ax:ax + 1, :])
        h = _ssilu(_dot(h, w2) + b2_ref[ax:ax + 1, :])
        a_s = a_s + h
        wv = wv_ref[ax * H:(ax + 1) * H, :]
        for d in range(3):
            c = ax * 3 + d
            vproj = pay_ref[:, 3 * H + c * H:3 * H + (c + 1) * H]
            a_v[d] = _dot(a_v[d], wv) + vproj + a_v[d]
    i = pl.program_id(0)
    rows = i * B + lax.broadcasted_iota(jnp.int32, (B, 1), 0)
    valid = rows < N_real
    parts = [jnp.where(valid, a_s, 0.0)]
    parts += [jnp.where(valid, a_v[d], 0.0) for d in range(3)]
    parts.append(jnp.broadcast_to(jnp.where(valid, 1.0, 0.0), (B, H)))
    vals = jnp.concatenate(parts, axis=1).astype(jnp.bfloat16)
    seg = lax.broadcasted_iota(jnp.int32, (G, B), 0)
    onehot = (seg == batch_ref[0]).astype(jnp.bfloat16)

    @pl.when(i == 0)
    def _():
        out_ref[...] = jnp.zeros_like(out_ref)

    out_ref[...] += lax.dot_general(
        onehot, vals, (((1,), (0,)), ((), ())),
        preferred_element_type=jnp.float32)


def _run_atoms(N_real, Npad, G, s_pad, v_pad, feat_pad, dir_pad, payload,
               batch3, wm1, bm1, wm2, bm2, wr, br, w1a, b1, w2, b2, wv):
    B = BATOM
    full = lambda r, c: pl.BlockSpec((r, c), lambda i: (0, 0))
    return pl.pallas_call(
        functools.partial(_atom_kernel, N_real, B, G),
        grid=((N_real + B - 1) // B,),
        in_specs=[
            pl.BlockSpec((B, H), lambda i: (i, 0)),
            pl.BlockSpec((B, 3 * H), lambda i: (i, 0)),
            pl.BlockSpec((B, 3 * R), lambda i: (i, 0)),
            pl.BlockSpec((B, 9), lambda i: (i, 0)),
            pl.BlockSpec((B, PAY), lambda i: (i, 0)),
            pl.BlockSpec((1, 1, B), lambda i: (i, 0, 0)),
            full(3 * H, H), full(3, H),
            full(9 * H, H), full(3, 3 * H),
            full(9 * H, R), full(3, 3 * H),
            full(3 * H, H), full(3, H),
            full(3 * H, H), full(3, H),
            full(3 * H, H),
        ],
        out_specs=pl.BlockSpec((G, POOL), lambda i: (0, 0)),
        out_shape=jax.ShapeDtypeStruct((G, POOL), jnp.float32),
        compiler_params=pltpu.CompilerParams(
            dimension_semantics=("arbitrary",)),
    )(s_pad, v_pad, feat_pad, dir_pad, payload, batch3,
      wm1, bm1, wm2, bm2, wr, br, w1a, b1, w2, b2, wv)


def _axis_kernel(part_ref, s_ref, v_ref,
                 wa1p_ref, wa1s_ref, ba1_ref, wa2_ref, ba2_ref, wav_ref,
                 wsv_ref, ws1s_ref, ws1n_ref, bs1_ref, ws2_ref, bs2_ref,
                 wd_ref, mix_ref, out_ref):
    pooled = part_ref[...]
    cnt = jnp.maximum(pooled[:, 4 * H:4 * H + 1], 1.0)
    inv_cnt = 1.0 / cnt
    pooled_s = pooled[:, 0:H] * inv_cnt
    pooled_v = [pooled[:, H + d * H:H + (d + 1) * H] * inv_cnt for d in range(3)]

    s_in = [s_ref[:, k * H:(k + 1) * H] for k in range(3)]
    v_in = [[v_ref[:, (k * 3 + d) * H:(k * 3 + d + 1) * H] for d in range(3)]
            for k in range(3)]
    s_mix = []
    v_mix = []
    for ax in range(3):
        acc = mix_ref[3 + ax, 0] + mix_ref[ax, 0] * s_in[0] \
            + mix_ref[ax, 1] * s_in[1] + mix_ref[ax, 2] * s_in[2]
        s_mix.append(acc)
        v_mix.append([mix_ref[6 + ax, 0] * v_in[0][d]
                      + mix_ref[6 + ax, 1] * v_in[1][d]
                      + mix_ref[6 + ax, 2] * v_in[2][d] for d in range(3)])

    s_new = []
    v_new = []
    for ax in range(3):
        wa1p = wa1p_ref[ax * H:(ax + 1) * H, :]
        wa1s = wa1s_ref[ax * H:(ax + 1) * H, :]
        wa2 = wa2_ref[ax * H:(ax + 1) * H, :]
        wav = wav_ref[ax * H:(ax + 1) * H, :]
        s_ax = s_mix[ax]
        h = _ssilu(_dot(pooled_s, wa1p) + _dot(s_ax, wa1s)
                   + ba1_ref[ax:ax + 1, :])
        d_s = _ssilu(_dot(h, wa2) + ba2_ref[ax:ax + 1, :])
        s_ax = s_ax + d_s
        v_ax = [v_mix[ax][d] + _dot(pooled_v[d] + v_mix[ax][d], wav)
                for d in range(3)]
        wsv = wsv_ref[ax * 2 * H:(ax + 1) * 2 * H, :]
        vv = [_dot(v_ax[d], wsv) for d in range(3)]
        v1 = [vv[d][:, :H] for d in range(3)]
        v2 = [vv[d][:, H:] for d in range(3)]
        norm = jnp.sqrt(v2[0] * v2[0] + v2[1] * v2[1] + v2[2] * v2[2] + 1e-8)
        ws1s = ws1s_ref[ax * H:(ax + 1) * H, :]
        ws1n = ws1n_ref[ax * H:(ax + 1) * H, :]
        ws2 = ws2_ref[ax * 3 * H:(ax + 1) * 3 * H, :]
        sh = _ssilu(_dot(s_ax, ws1s) + _dot(norm, ws1n)
                    + bs1_ref[ax:ax + 1, :])
        sh = _dot(sh, ws2) + bs2_ref[ax:ax + 1, :]
        s1 = sh[:, :H]
        s2 = sh[:, H:2 * H]
        gate = jnp.tanh(sh[:, 2 * H:])
        s_new.append(s2 + s_ax * gate)
        v_new.append([s1 * v1[d] + v_ax[d] for d in range(3)])

    cols = [None] * 9
    for ax in range(3):
        wd = wd_ref[ax:ax + 1, :]
        for d in range(3):
            vm = mix_ref[6 + ax, 0] * v_new[0][d] \
               + mix_ref[6 + ax, 1] * v_new[1][d] \
               + mix_ref[6 + ax, 2] * v_new[2][d]
            cols[d * 3 + ax] = _dot(vm, wd)
    out_ref[...] = jnp.concatenate(cols, axis=1)


def _run_axis(G, partials, s_flat, v_flat,
              wa1p, wa1s, ba1, wa2, ba2, wav, wsv, ws1s, ws1n, bs1,
              ws2, bs2, wd, mix):
    BG = 256
    full = lambda r, c: pl.BlockSpec((r, c), lambda i: (0, 0))
    return pl.pallas_call(
        _axis_kernel,
        grid=(G // BG,),
        in_specs=[
            pl.BlockSpec((BG, POOL), lambda i: (i, 0)),
            pl.BlockSpec((BG, 3 * H), lambda i: (i, 0)),
            pl.BlockSpec((BG, 9 * H), lambda i: (i, 0)),
            full(3 * H, H), full(3 * H, H), full(3, H),
            full(3 * H, H), full(3, H),
            full(3 * H, H),
            full(6 * H, H),
            full(3 * H, H), full(3 * H, H), full(3, H),
            full(9 * H, H), full(3, 3 * H),
            full(3, H),
            pl.BlockSpec(memory_space=pltpu.SMEM),
        ],
        out_specs=pl.BlockSpec((BG, 9), lambda i: (i, 0)),
        out_shape=jax.ShapeDtypeStruct((G, 9), jnp.float32),
    )(partials, s_flat, v_flat,
      wa1p, wa1s, ba1, wa2, ba2, wav, wsv, ws1s, ws1n, bs1, ws2, bs2, wd, mix)


def kernel(atom_scalar, axis_scalar_state, atom_vector, axis_vector_state,
           lattice_feat, lattice_udiff, batch,
           W_msg1, b_msg1, W_msg2, b_msg2, W_rbf, b_rbf,
           W_x2a_s1, b_x2a_s1, W_x2a_s2, b_x2a_s2, W_x2a_v,
           W_a2x_s1, b_a2x_s1, W_a2x_s2, b_a2x_s2, W_a2x_v,
           W_svec, W_ss1, b_ss1, W_ss2, b_ss2, W_delta,
           W_mix_s, b_mix_s, W_mix_v):
    N = atom_scalar.shape[0]
    G = axis_scalar_state.shape[0]
    align = CHUNK * NW
    Npad = ((N + align - 1) // align) * align

    f32 = jnp.float32
    s_flat = axis_scalar_state.reshape(G, 3 * H)
    v_flat = axis_vector_state.reshape(G, 9 * H)

    w1b = W_x2a_s1[:, :, H:].reshape(3 * H, H)
    wv = W_x2a_v.reshape(3 * H, H)
    table = _build_payload(s_flat, v_flat, w1b, wv, G)

    batch_pad = jnp.pad(batch.astype(jnp.int32), (0, Npad - N))
    payload = _make_gather(Npad)(table, batch_pad)

    batch3 = batch_pad.reshape(Npad // BATOM, 1, BATOM)
    pooled = _run_atoms(
        N, Npad, G, atom_scalar, atom_vector.reshape(N, 3 * H),
        lattice_feat.reshape(N, 3 * R), lattice_udiff.reshape(N, 9),
        payload, batch3,
        W_msg1.reshape(3 * H, H), b_msg1,
        W_msg2.reshape(9 * H, H), b_msg2,
        W_rbf.reshape(9 * H, R), b_rbf,
        W_x2a_s1[:, :, :H].reshape(3 * H, H), b_x2a_s1,
        W_x2a_s2.reshape(3 * H, H), b_x2a_s2,
        W_x2a_v.reshape(3 * H, H))

    wsv = W_svec.reshape(6 * H, H)
    mix = jnp.concatenate(
        [W_mix_s, b_mix_s[:, None] * jnp.ones((3, 3), f32), W_mix_v], axis=0)
    out9 = _run_axis(
        G, pooled, s_flat, v_flat,
        W_a2x_s1[:, :, :H].reshape(3 * H, H),
        W_a2x_s1[:, :, H:].reshape(3 * H, H), b_a2x_s1,
        W_a2x_s2.reshape(3 * H, H), b_a2x_s2,
        W_a2x_v.reshape(3 * H, H),
        wsv,
        W_ss1[:, :, :H].reshape(3 * H, H),
        W_ss1[:, :, H:].reshape(3 * H, H), b_ss1,
        W_ss2.reshape(9 * H, H), b_ss2,
        W_delta.reshape(3, H), mix)
    return out9.reshape(G, 3, 3)

# --- scband reference (transcript-rebuilt; emitter-appended) ---
"""Pipeline reference for scband-lattice-block-58007828300076 (READ-ONLY COPY).

The authoritative reference and input builder live on the scoring server;
editing this copy changes nothing except your own understanding.
"""

import math
import jax, jax.numpy as jnp
import numpy as np

H = 128
R = 16
N = 100000
G = 2048

PARAM_KEYS = ['W_msg1','b_msg1','W_msg2','b_msg2','W_rbf','b_rbf','W_x2a_s1','b_x2a_s1','W_x2a_s2','b_x2a_s2','W_x2a_v','W_a2x_s1','b_a2x_s1','W_a2x_s2','b_a2x_s2','W_a2x_v','W_svec','W_ss1','b_ss1','W_ss2','b_ss2','W_delta','W_mix_s','b_mix_s','W_mix_v']

def _lin(x, W, b=None):
    y = x @ W.T
    if b is not None:
        y = y + b
    return y

def _ssilu(x):
    return jax.nn.silu(x) * (1.0 / 0.6)

def setup_inputs(seed=0):
    key = jax.random.key(seed)
    ks = iter(jax.random.split(key, 64))
    def nrm(shape, scale):
        return jax.random.normal(next(ks), shape, dtype=jnp.float32) * scale
    s = 1.0 / math.sqrt(H)
    s2 = 1.0 / math.sqrt(2 * H)
    inp = {}
    inp['atom_scalar'] = nrm((N, H), 1.0)
    inp['axis_scalar_state'] = nrm((G, 3, H), 1.0)
    inp['atom_vector'] = nrm((N, 3, H), 1.0)
    inp['axis_vector_state'] = nrm((G, 3, 3, H), 1.0)
    inp['lattice_feat'] = nrm((N, 3, R), 1.0)
    inp['lattice_udiff'] = nrm((N, 3, 3), 1.0)
    inp['batch'] = jnp.sort(jax.random.randint(next(ks), (N,), 0, G))
    inp['W_msg1'] = nrm((3, H, H), s); inp['b_msg1'] = jnp.zeros((3, H), jnp.float32)
    inp['W_msg2'] = nrm((3, 3 * H, H), s); inp['b_msg2'] = jnp.zeros((3, 3 * H), jnp.float32)
    inp['W_rbf'] = nrm((3, 3 * H, R), 1.0 / math.sqrt(R)); inp['b_rbf'] = jnp.zeros((3, 3 * H), jnp.float32)
    inp['W_x2a_s1'] = nrm((3, H, 2 * H), s2); inp['b_x2a_s1'] = jnp.zeros((3, H), jnp.float32)
    inp['W_x2a_s2'] = nrm((3, H, H), s); inp['b_x2a_s2'] = jnp.zeros((3, H), jnp.float32)
    inp['W_x2a_v'] = nrm((3, H, H), s)
    inp['W_a2x_s1'] = nrm((3, H, 2 * H), s2); inp['b_a2x_s1'] = jnp.zeros((3, H), jnp.float32)
    inp['W_a2x_s2'] = nrm((3, H, H), s); inp['b_a2x_s2'] = jnp.zeros((3, H), jnp.float32)
    inp['W_a2x_v'] = nrm((3, H, H), s)
    inp['W_svec'] = nrm((3, 2 * H, H), s)
    inp['W_ss1'] = nrm((3, H, 2 * H), s2); inp['b_ss1'] = jnp.zeros((3, H), jnp.float32)
    inp['W_ss2'] = nrm((3, 3 * H, H), s); inp['b_ss2'] = jnp.zeros((3, 3 * H), jnp.float32)
    inp['W_delta'] = nrm((3, 1, H), s)
    inp['W_mix_s'] = nrm((3, 3), 1.0 / math.sqrt(3.0)); inp['b_mix_s'] = jnp.zeros((3,), jnp.float32)
    inp['W_mix_v'] = nrm((3, 3), 1.0 / math.sqrt(3.0))
    return inp

def _mix(axis_s, axis_v, W_mix_s, b_mix_s, W_mix_v):
    s = jnp.transpose(axis_s, (0, 2, 1))
    s = s @ W_mix_s.T + b_mix_s
    axis_s = jnp.transpose(s, (0, 2, 1))
    v = jnp.transpose(axis_v, (0, 2, 3, 1))
    v = v @ W_mix_v.T
    axis_v = jnp.transpose(v, (0, 3, 1, 2))
    return axis_s, axis_v

def _forward(atom_scalar, axis_s, atom_vector, axis_v, lattice_feat, lattice_udiff, batch, p):
    inv3 = 1.0 / math.sqrt(3.0)
    invh = 1.0 / math.sqrt(H)
    a_s = atom_scalar
    a_v = atom_vector
    # distribute_to_atoms
    s_list = []; v_list = []
    for ax in range(3):
        s_axis = axis_s[:, ax]; v_axis = axis_v[:, ax]
        feat = lattice_feat[:, ax]; edir = lattice_udiff[:, ax]
        atom_proj = _lin(_ssilu(_lin(a_s, p['W_msg1'][ax], p['b_msg1'][ax])), p['W_msg2'][ax], p['b_msg2'][ax])
        edge_proj = _lin(feat, p['W_rbf'][ax], p['b_rbf'][ax])
        m = atom_proj * edge_proj * inv3
        m1 = m[:, :H]; m2 = m[:, H:2 * H]; m3 = m[:, 2 * H:]
        a_s = m3 + a_s
        a_v = m1[:, None, :] * a_v + m2[:, None, :] * edir[:, :, None]
        a_v = a_v * invh
        s_b = s_axis[batch]
        v_b = v_axis[batch]
        h = jnp.concatenate([a_s, s_b], axis=-1)
        h = _ssilu(_lin(_ssilu(_lin(h, p['W_x2a_s1'][ax], p['b_x2a_s1'][ax])), p['W_x2a_s2'][ax], p['b_x2a_s2'][ax]))
        new_s = h + a_s
        new_v = _lin(a_v + v_b, p['W_x2a_v'][ax]) + a_v
        a_s = new_s; a_v = new_v
        s_list.append(s_axis); v_list.append(v_axis)
    axis_s = jnp.stack(s_list, axis=1)
    axis_v = jnp.stack(v_list, axis=1)
    axis_s, axis_v = _mix(axis_s, axis_v, p['W_mix_s'], p['b_mix_s'], p['W_mix_v'])
    # gather_from_atoms
    counts = jax.ops.segment_sum(jnp.ones((a_s.shape[0],), jnp.float32), batch, num_segments=G)
    counts = jnp.maximum(counts, 1.0)
    pooled_s = jax.ops.segment_sum(a_s, batch, num_segments=G) / counts[:, None]
    pooled_v = jax.ops.segment_sum(a_v, batch, num_segments=G) / counts[:, None, None]
    s_list = []; v_list = []
    for ax in range(3):
        s_axis = axis_s[:, ax]; v_axis = axis_v[:, ax]
        d_s = _ssilu(_lin(_ssilu(_lin(jnp.concatenate([pooled_s, s_axis], axis=-1), p['W_a2x_s1'][ax], p['b_a2x_s1'][ax])), p['W_a2x_s2'][ax], p['b_a2x_s2'][ax]))
        d_v = _lin(pooled_v + v_axis, p['W_a2x_v'][ax])
        s_axis = s_axis + d_s
        v_axis = v_axis + d_v
        vv = _lin(v_axis, p['W_svec'][ax])
        v1 = vv[..., :H]; v2 = vv[..., H:]
        norm = jnp.sqrt(jnp.sum(v2 ** 2, axis=-2) + 1e-08)
        sh = _lin(_ssilu(_lin(jnp.concatenate([s_axis, norm], axis=-1), p['W_ss1'][ax], p['b_ss1'][ax])), p['W_ss2'][ax], p['b_ss2'][ax])
        s1 = sh[:, :H]; s2 = sh[:, H:2 * H]; s3 = sh[:, 2 * H:]
        gate = jnp.tanh(s3)
        s_axis = s2 + s_axis * gate
        v_axis = s1[:, None, :] * v1 + v_axis
        s_list.append(s_axis); v_list.append(v_axis)
    axis_s = jnp.stack(s_list, axis=1)
    axis_v = jnp.stack(v_list, axis=1)
    axis_s, axis_v = _mix(axis_s, axis_v, p['W_mix_s'], p['b_mix_s'], p['W_mix_v'])
    # decode_lattice_delta
    deltas = [_lin(axis_v[:, ax], p['W_delta'][ax]) for ax in range(3)]
    return jnp.concatenate(deltas, axis=-1)

def reference(atom_scalar, axis_scalar_state, atom_vector, axis_vector_state,
              lattice_feat, lattice_udiff, batch,
              W_msg1, b_msg1, W_msg2, b_msg2, W_rbf, b_rbf,
              W_x2a_s1, b_x2a_s1, W_x2a_s2, b_x2a_s2, W_x2a_v,
              W_a2x_s1, b_a2x_s1, W_a2x_s2, b_a2x_s2, W_a2x_v,
              W_svec, W_ss1, b_ss1, W_ss2, b_ss2, W_delta,
              W_mix_s, b_mix_s, W_mix_v):
    _loc = locals()
    p = {k: _loc[k] for k in PARAM_KEYS}
    return _forward(atom_scalar, axis_scalar_state, atom_vector, axis_vector_state, lattice_feat, lattice_udiff, batch, p)

if __name__ == "__main__":
    import jax
    _d = setup_inputs()
    print(jax.jit(kernel)(*tuple(_d.values())))

</pallas_src>

<mosaic_0001>
#map = affine_map<(d0, d1) -> (0, 0)>
#map1 = affine_map<(d0, d1) -> (0)>
module attributes {stable_mosaic.version = 14 : i64} {
  func.func @gather_k(%arg0: i32, %arg1: i32, %arg2: memref<2048x1536xf32, #tpu.memory_space<hbm>>, %arg3: memref<100352xi32, #tpu.memory_space<hbm>>, %arg4: memref<100352x1536xf32, #tpu.memory_space<hbm>>, %arg5: memref<3136xi32, #tpu.memory_space<vmem>>, %arg6: memref<32x1536xf32, #tpu.memory_space<vmem>>, %arg7: memref<32x1536xf32, #tpu.memory_space<vmem>>, %arg8: memref<!tpu.dma_semaphore, #tpu.memory_space<semaphore_mem>>, %arg9: memref<!tpu.dma_semaphore, #tpu.memory_space<semaphore_mem>>, %arg10: memref<!tpu.dma_semaphore, #tpu.memory_space<semaphore_mem>>, %arg11: memref<!tpu.dma_semaphore, #tpu.memory_space<semaphore_mem>>) attributes {dimension_semantics = [#tpu.dimension_semantics<core_parallel>, #tpu.dimension_semantics<subcore_parallel>], iteration_bounds = array<i64: 2, 16>, scalar_prefetch = 0 : i64, scratch_operands = 7 : i64, tpu.core_type = #tpu.core_type<sc_vector_subcore>, window_params = [{transform_indices = #map}, {transform_indices = #map1}, {transform_indices = #map}]} {
    %mul3A = arith.constant 2 : i32
    %mul3A_0 = arith.muli %arg1, %mul3A : i32
    %add3A = arith.addi %mul3A_0, %arg0 : i32
    %mul3A_1 = arith.constant 3136 : i32
    %mul3A_2 = arith.muli %add3A, %mul3A_1 : i32
    "tpu.region"() ({
      %run_scoped3A = tpu.sem_alloc : memref<!tpu.dma_semaphore, #tpu.memory_space<semaphore_mem>>
      %dma_start3A = tpu.memref_slice %arg3[%mul3A_2] : memref<100352xi32, #tpu.memory_space<hbm>> -> memref<3136xi32, #tpu.memory_space<hbm>>
      %dma_start3A_8 = tpu.memref_slice %arg3[%mul3A_2] : memref<100352xi32, #tpu.memory_space<hbm>> -> memref<3136xi32, #tpu.memory_space<hbm>>
      tpu.enqueue_dma source(%dma_start3A_8 : memref<3136xi32, #tpu.memory_space<hbm>>) target(%arg5 : memref<3136xi32, #tpu.memory_space<vmem>>) target_semaphore(%run_scoped3A : memref<!tpu.dma_semaphore, #tpu.memory_space<semaphore_mem>>)
      %dma_wait3A = tpu.memref_slice %arg3[%mul3A_2] : memref<100352xi32, #tpu.memory_space<hbm>> -> memref<3136xi32, #tpu.memory_space<hbm>>
      %dma_wait3A_9 = tpu.memref_slice %arg3[%mul3A_2] : memref<100352xi32, #tpu.memory_space<hbm>> -> memref<3136xi32, #tpu.memory_space<hbm>>
      tpu.wait_dma2 semaphore(%run_scoped3A : memref<!tpu.dma_semaphore, #tpu.memory_space<semaphore_mem>>) src(%dma_wait3A_9 : memref<3136xi32, #tpu.memory_space<hbm>>) dst(%arg5 : memref<3136xi32, #tpu.memory_space<vmem>>)
      tpu.yield
    }) : () -> ()
    %scan3A = arith.constant 0 : i32
    %scan3A_3 = arith.constant 0 : i32
    %scan3A_4 = arith.constant 49 : i32
    %scan3A_5 = arith.addi %scan3A_3, %scan3A_4 : i32
    %scan3A_6 = arith.constant 1 : i32
    scf.for %scan3A_8 = %scan3A_3 to %scan3A_5 step %scan3A_6  : i32 {
      %mul3A_9 = arith.constant 2 : i32
      %mul3A_10 = arith.muli %mul3A_9, %scan3A_8 : i32
      %mul3A_11 = arith.constant 32 : i32
      %mul3A_12 = arith.muli %mul3A_10, %mul3A_11 : i32
      %add3A_13 = arith.constant 32 : i32
      %add3A_14 = arith.addi %mul3A_12, %add3A_13 : i32
      %dma_start3A = tpu.memref_slice %arg5[%mul3A_12] : memref<3136xi32, #tpu.memory_space<vmem>> -> memref<32xi32, #tpu.memory_space<vmem>>
      %dma_start3A_15 = arith.constant 0 : i32
      %dma_start3A_16 = arith.constant 0 : i32
      %dma_start3A_17 = tpu.memref_slice %arg2[%dma_start3A_15, %dma_start3A_16] : memref<2048x1536xf32, #tpu.memory_space<hbm>> -> memref<2048x1536xf32, #tpu.memory_space<hbm>>
      tpu.enqueue_indirect_dma source(%dma_start3A_17 : memref<2048x1536xf32, #tpu.memory_space<hbm>>) target(%arg6 : memref<32x1536xf32, #tpu.memory_space<vmem>>) offsets(%dma_start3A : memref<32xi32, #tpu.memory_space<vmem>>) semaphore(%arg8 : memref<!tpu.dma_semaphore, #tpu.memory_space<semaphore_mem>>)
      %dma_start3A_18 = tpu.memref_slice %arg5[%add3A_14] : memref<3136xi32, #tpu.memory_space<vmem>> -> memref<32xi32, #tpu.memory_space<vmem>>
      %dma_start3A_19 = arith.constant 0 : i32
      %dma_start3A_20 = arith.constant 0 : i32
      %dma_start3A_21 = tpu.memref_slice %arg2[%dma_start3A_19, %dma_start3A_20] : memref<2048x1536xf32, #tpu.memory_space<hbm>> -> memref<2048x1536xf32, #tpu.memory_space<hbm>>
      tpu.enqueue_indirect_dma source(%dma_start3A_21 : memref<2048x1536xf32, #tpu.memory_space<hbm>>) target(%arg7 : memref<32x1536xf32, #tpu.memory_space<vmem>>) offsets(%dma_start3A_18 : memref<32xi32, #tpu.memory_space<vmem>>) semaphore(%arg9 : memref<!tpu.dma_semaphore, #tpu.memory_space<semaphore_mem>>)
      %dma_wait3A = tpu.memref_slice %arg5[%mul3A_12] : memref<3136xi32, #tpu.memory_space<vmem>> -> memref<32xi32, #tpu.memory_space<vmem>>
      %dma_wait3A_22 = arith.constant 0 : i32
      %dma_wait3A_23 = arith.constant 0 : i32
      %dma_wait3A_24 = tpu.memref_slice %arg2[%dma_wait3A_22, %dma_wait3A_23] : memref<2048x1536xf32, #tpu.memory_space<hbm>> -> memref<2048x1536xf32, #tpu.memory_space<hbm>>
      tpu.wait_indirect_dma semaphore(%arg8 : memref<!tpu.dma_semaphore, #tpu.memory_space<semaphore_mem>>) src(%dma_wait3A_24 : memref<2048x1536xf32, #tpu.memory_space<hbm>>) dst(%arg6 : memref<32x1536xf32, #tpu.memory_space<vmem>>)
      %add3A_25 = arith.addi %mul3A_2, %mul3A_12 : i32
      %dma_start3A_26 = arith.constant 0 : i32
      %dma_start3A_27 = tpu.memref_slice %arg4[%add3A_25, %dma_start3A_26] : memref<100352x1536xf32, #tpu.memory_space<hbm>> -> memref<32x1536xf32, #tpu.memory_space<hbm>>
      %dma_start3A_28 = arith.constant 0 : i32
      %dma_start3A_29 = tpu.memref_slice %arg4[%add3A_25, %dma_start3A_28] : memref<100352x1536xf32, #tpu.memory_space<hbm>> -> memref<32x1536xf32, #tpu.memory_space<hbm>>
      tpu.enqueue_dma source(%arg6 : memref<32x1536xf32, #tpu.memory_space<vmem>>) target(%dma_start3A_29 : memref<32x1536xf32, #tpu.memory_space<hbm>>) target_semaphore(%arg10 : memref<!tpu.dma_semaphore, #tpu.memory_space<semaphore_mem>>)
      %dma_wait3A_30 = tpu.memref_slice %arg5[%add3A_14] : memref<3136xi32, #tpu.memory_space<vmem>> -> memref<32xi32, #tpu.memory_space<vmem>>
      %dma_wait3A_31 = arith.constant 0 : i32
      %dma_wait3A_32 = arith.constant 0 : i32
      %dma_wait3A_33 = tpu.memref_slice %arg2[%dma_wait3A_31, %dma_wait3A_32] : memref<2048x1536xf32, #tpu.memory_space<hbm>> -> memref<2048x1536xf32, #tpu.memory_space<hbm>>
      tpu.wait_indirect_dma semaphore(%arg9 : memref<!tpu.dma_semaphore, #tpu.memory_space<semaphore_mem>>) src(%dma_wait3A_33 : memref<2048x1536xf32, #tpu.memory_space<hbm>>) dst(%arg7 : memref<32x1536xf32, #tpu.memory_space<vmem>>)
      %add3A_34 = arith.addi %mul3A_2, %add3A_14 : i32
      %dma_start3A_35 = arith.constant 0 : i32
      %dma_start3A_36 = tpu.memref_slice %arg4[%add3A_34, %dma_start3A_35] : memref<100352x1536xf32, #tpu.memory_space<hbm>> -> memref<32x1536xf32, #tpu.memory_space<hbm>>
      %dma_start3A_37 = arith.constant 0 : i32
      %dma_start3A_38 = tpu.memref_slice %arg4[%add3A_34, %dma_start3A_37] : memref<100352x1536xf32, #tpu.memory_space<hbm>> -> memref<32x1536xf32, #tpu.memory_space<hbm>>
      tpu.enqueue_dma source(%arg7 : memref<32x1536xf32, #tpu.memory_space<vmem>>) target(%dma_start3A_38 : memref<32x1536xf32, #tpu.memory_space<hbm>>) target_semaphore(%arg11 : memref<!tpu.dma_semaphore, #tpu.memory_space<semaphore_mem>>)
      %dma_wait3A_39 = arith.constant 0 : i32
      %dma_wait3A_40 = tpu.memref_slice %arg4[%add3A_25, %dma_wait3A_39] : memref<100352x1536xf32, #tpu.memory_space<hbm>> -> memref<32x1536xf32, #tpu.memory_space<hbm>>
      %dma_wait3A_41 = arith.constant 0 : i32
      %dma_wait3A_42 = tpu.memref_slice %arg4[%add3A_25, %dma_wait3A_41] : memref<100352x1536xf32, #tpu.memory_space<hbm>> -> memref<32x1536xf32, #tpu.memory_space<hbm>>
      tpu.wait_dma2 semaphore(%arg10 : memref<!tpu.dma_semaphore, #tpu.memory_space<semaphore_mem>>) src(%arg6 : memref<32x1536xf32, #tpu.memory_space<vmem>>) dst(%dma_wait3A_42 : memref<32x1536xf32, #tpu.memory_space<hbm>>)
      %dma_wait3A_43 = arith.constant 0 : i32
      %dma_wait3A_44 = tpu.memref_slice %arg4[%add3A_34, %dma_wait3A_43] : memref<100352x1536xf32, #tpu.memory_space<hbm>> -> memref<32x1536xf32, #tpu.memory_space<hbm>>
      %dma_wait3A_45 = arith.constant 0 : i32
      %dma_wait3A_46 = tpu.memref_slice %arg4[%add3A_34, %dma_wait3A_45] : memref<100352x1536xf32, #tpu.memory_space<hbm>> -> memref<32x1536xf32, #tpu.memory_space<hbm>>
      tpu.wait_dma2 semaphore(%arg11 : memref<!tpu.dma_semaphore, #tpu.memory_space<semaphore_mem>>) src(%arg7 : memref<32x1536xf32, #tpu.memory_space<vmem>>) dst(%dma_wait3A_46 : memref<32x1536xf32, #tpu.memory_space<hbm>>)
    }
    %scan3A_7 = arith.constant 49 : i32
    return
  }
}

module attributes {stable_mosaic.version = 14 : i64} {
  func.func @_payload_kernel(%arg0: i32, %arg1: memref<256x384xf32, #tpu.memory_space<vmem>>, %arg2: memref<256x1152xf32, #tpu.memory_space<vmem>>, %arg3: memref<384x128xf32, #tpu.memory_space<vmem>>, %arg4: memref<384x128xf32, #tpu.memory_space<vmem>>, %arg5: memref<256x1536xf32, #tpu.memory_space<vmem>>) attributes {dimension_semantics = [#tpu.dimension_semantics<arbitrary>], iteration_bounds = array<i64: 8>, scalar_prefetch = 0 : i64, scratch_operands = 0 : i64, tpu.core_type = #tpu.core_type<tc>, window_params = [{transform_indices = @transform_0, window_bounds = array<i64: 256, 384>}, {transform_indices = @transform_1, window_bounds = array<i64: 256, 1152>}, {pipeline_mode = #tpu.pipeline_mode<synchronous>, transform_indices = @transform_2, window_bounds = array<i64: 384, 128>}, {pipeline_mode = #tpu.pipeline_mode<synchronous>, transform_indices = @transform_3, window_bounds = array<i64: 384, 128>}, {transform_indices = @transform_4, window_bounds = array<i64: 256, 1536>}]} {
    %get3A = arith.constant 0 : index
    %get3A_0 = arith.constant 0 : index
    %get3A_1 = vector.load %arg3[%get3A, %get3A_0] : memref<384x128xf32, #tpu.memory_space<vmem>>, vector<128x128xf32>
    %get3A_2 = arith.constant 0 : index
    %get3A_3 = arith.constant 0 : index
    %get3A_4 = vector.load %arg1[%get3A_2, %get3A_3] : memref<256x384xf32, #tpu.memory_space<vmem>>, vector<256x128xf32>
    %dot_general3A = arith.constant dense<0.000000e+00> : vector<256x128xf32>
    %dot_general3A_5 = tpu.matmul %get3A_4, %get3A_1, %dot_general3A {dimension_numbers = #tpu.dot_dimension_numbers<[1], [1], [0], [0], [0, 0, 1, 0], [], []>, transpose_lhs_hint = false} : vector<256x128xf32>, vector<128x128xf32>, vector<256x128xf32> -> vector<256x128xf32>
    %swap3A = arith.constant 0 : index
    %swap3A_6 = arith.constant 0 : index
    %swap3A_7 = vector.load %arg5[%swap3A, %swap3A_6] : memref<256x1536xf32, #tpu.memory_space<vmem>>, vector<256x128xf32>
    tpu.vector_store %arg5[%swap3A, %swap3A_6], %dot_general3A_5 {strides = array<i32>} : memref<256x1536xf32, #tpu.memory_space<vmem>>, vector<256x128xf32>,
    %get3A_8 = arith.constant 0 : index
    %get3A_9 = arith.constant 0 : index
    %get3A_10 = vector.load %arg4[%get3A_8, %get3A_9] : memref<384x128xf32, #tpu.memory_space<vmem>>, vector<128x128xf32>
    %get3A_11 = arith.constant 0 : index
    %get3A_12 = arith.constant 0 : index
    %get3A_13 = vector.load %arg2[%get3A_11, %get3A_12] : memref<256x1152xf32, #tpu.memory_space<vmem>>, vector<256x128xf32>
    %dot_general3A_14 = arith.constant dense<0.000000e+00> : vector<256x128xf32>
    %dot_general3A_15 = tpu.matmul %get3A_13, %get3A_10, %dot_general3A_14 {dimension_numbers = #tpu.dot_dimension_numbers<[1], [1], [0], [0], [0, 0, 1, 0], [], []>, transpose_lhs_hint = false} : vector<256x128xf32>, vector<128x128xf32>, vector<256x128xf32> -> vector<256x128xf32>
    %swap3A_16 = arith.constant 0 : index
    %swap3A_17 = arith.constant 384 : index
    %swap3A_18 = vector.load %arg5[%swap3A_16, %swap3A_17] : memref<256x1536xf32, #tpu.memory_space<vmem>>, vector<256x128xf32>
    tpu.vector_store %arg5[%swap3A_16, %swap3A_17], %dot_general3A_15 {strides = array<i32>} : memref<256x1536xf32, #tpu.memory_space<vmem>>, vector<256x128xf32>,
    %get3A_19 = arith.constant 0 : index
    %get3A_20 = arith.constant 128 : index
    %get3A_21 = vector.load %arg2[%get3A_19, %get3A_20] : memref<256x1152xf32, #tpu.memory_space<vmem>>, vector<256x128xf32>
    %dot_general3A_22 = arith.constant dense<0.000000e+00> : vector<256x128xf32>
    %dot_general3A_23 = tpu.matmul %get3A_21, %get3A_10, %dot_general3A_22 {dimension_numbers = #tpu.dot_dimension_numbers<[1], [1], [0], [0], [0, 0, 1, 0], [], []>, transpose_lhs_hint = false} : vector<256x128xf32>, vector<128x128xf32>, vector<256x128xf32> -> vector<256x128xf32>
    %swap3A_24 = arith.constant 0 : index
    %swap3A_25 = arith.constant 512 : index
    %swap3A_26 = vector.load %arg5[%swap3A_24, %swap3A_25] : memref<256x1536xf32, #tpu.memory_space<vmem>>, vector<256x128xf32>
    tpu.vector_store %arg5[%swap3A_24, %swap3A_25], %dot_general3A_23 {strides = array<i32>} : memref<256x1536xf32, #tpu.memory_space<vmem>>, vector<256x128xf32>,
    %get3A_27 = arith.constant 0 : index
    %get3A_28 = arith.constant 256 : index
    %get3A_29 = vector.load %arg2[%get3A_27, %get3A_28] : memref<256x1152xf32, #tpu.memory_space<vmem>>, vector<256x128xf32>
    %dot_general3A_30 = arith.constant dense<0.000000e+00> : vector<256x128xf32>
    %dot_general3A_31 = tpu.matmul %get3A_29, %get3A_10, %dot_general3A_30 {dimension_numbers = #tpu.dot_dimension_numbers<[1], [1], [0], [0], [0, 0, 1, 0], [], []>, transpose_lhs_hint = false} : vector<256x128xf32>, vector<128x128xf32>, vector<256x128xf32> -> vector<256x128xf32>
    %swap3A_32 = arith.constant 0 : index
    %swap3A_33 = arith.constant 640 : index
    %swap3A_34 = vector.load %arg5[%swap3A_32, %swap3A_33] : memref<256x1536xf32, #tpu.memory_space<vmem>>, vector<256x128xf32>
    tpu.vector_store %arg5[%swap3A_32, %swap3A_33], %dot_general3A_31 {strides = array<i32>} : memref<256x1536xf32, #tpu.memory_space<vmem>>, vector<256x128xf32>,
    %get3A_35 = arith.constant 128 : index
    %get3A_36 = arith.constant 0 : index
    %get3A_37 = vector.load %arg3[%get3A_35, %get3A_36] : memref<384x128xf32, #tpu.memory_space<vmem>>, vector<128x128xf32>
    %get3A_38 = arith.constant 0 : index
    %get3A_39 = arith.constant 128 : index
    %get3A_40 = vector.load %arg1[%get3A_38, %get3A_39] : memref<256x384xf32, #tpu.memory_space<vmem>>, vector<256x128xf32>
    %dot_general3A_41 = arith.constant dense<0.000000e+00> : vector<256x128xf32>
    %dot_general3A_42 = tpu.matmul %get3A_40, %get3A_37, %dot_general3A_41 {dimension_numbers = #tpu.dot_dimension_numbers<[1], [1], [0], [0], [0, 0, 1, 0], [], []>, transpose_lhs_hint = false} : vector<256x128xf32>, vector<128x128xf32>, vector<256x128xf32> -> vector<256x128xf32>
    %swap3A_43 = arith.constant 0 : index
    %swap3A_44 = arith.constant 128 : index
    %swap3A_45 = vector.load %arg5[%swap3A_43, %swap3A_44] : memref<256x1536xf32, #tpu.memory_space<vmem>>, vector<256x128xf32>
    tpu.vector_store %arg5[%swap3A_43, %swap3A_44], %dot_general3A_42 {strides = array<i32>} : memref<256x1536xf32, #tpu.memory_space<vmem>>, vector<256x128xf32>,
    %get3A_46 = arith.constant 128 : index
    %get3A_47 = arith.constant 0 : index
    %get3A_48 = vector.load %arg4[%get3A_46, %get3A_47] : memref<384x128xf32, #tpu.memory_space<vmem>>, vector<128x128xf32>
    %get3A_49 = arith.constant 0 : index
    %get3A_50 = arith.constant 384 : index
    %get3A_51 = vector.load %arg2[%get3A_49, %get3A_50] : memref<256x1152xf32, #tpu.memory_space<vmem>>, vector<256x128xf32>
    %dot_general3A_52 = arith.constant dense<0.000000e+00> : vector<256x128xf32>
    %dot_general3A_53 = tpu.matmul %get3A_51, %get3A_48, %dot_general3A_52 {dimension_numbers = #tpu.dot_dimension_numbers<[1], [1], [0], [0], [0, 0, 1, 0], [], []>, transpose_lhs_hint = false} : vector<256x128xf32>, vector<128x128xf32>, vector<256x128xf32> -> vector<256x128xf32>
    %swap3A_54 = arith.constant 0 : index
    %swap3A_55 = arith.constant 768 : index
    %swap3A_56 = vector.load %arg5[%swap3A_54, %swap3A_55] : memref<256x1536xf32, #tpu.memory_space<vmem>>, vector<256x128xf32>
    tpu.vector_store %arg5[%swap3A_54, %swap3A_55], %dot_general3A_53 {strides = array<i32>} : memref<256x1536xf32, #tpu.memory_space<vmem>>, vector<256x128xf32>,
    %get3A_57 = arith.constant 0 : index
    %get3A_58 = arith.constant 512 : index
    %get3A_59 = vector.load %arg2[%get3A_57, %get3A_58] : memref<256x1152xf32, #tpu.memory_space<vmem>>, vector<256x128xf32>
    %dot_general3A_60 = arith.constant dense<0.000000e+00> : vector<256x128xf32>
    %dot_general3A_61 = tpu.matmul %get3A_59, %get3A_48, %dot_general3A_60 {dimension_numbers = #tpu.dot_dimension_numbers<[1], [1], [0], [0], [0, 0, 1, 0], [], []>, transpose_lhs_hint = false} : vector<256x128xf32>, vector<128x128xf32>, vector<256x128xf32> -> vector<256x128xf32>
    %swap3A_62 = arith.constant 0 : index
    %swap3A_63 = arith.constant 896 : index
    %swap3A_64 = vector.load %arg5[%swap3A_62, %swap3A_63] : memref<256x1536xf32, #tpu.memory_space<vmem>>, vector<256x128xf32>
    tpu.vector_store %arg5[%swap3A_62, %swap3A_63], %dot_general3A_61 {strides = array<i32>} : memref<256x1536xf32, #tpu.memory_space<vmem>>, vector<256x128xf32>,
    %get3A_65 = arith.constant 0 : index
    %get3A_66 = arith.constant 640 : index
    %get3A_67 = vector.load %arg2[%get3A_65, %get3A_66] : memref<256x1152xf32, #tpu.memory_space<vmem>>, vector<256x128xf32>
    %dot_general3A_68 = arith.constant dense<0.000000e+00> : vector<256x128xf32>
    %dot_general3A_69 = tpu.matmul %get3A_67, %get3A_48, %dot_general3A_68 {dimension_numbers = #tpu.dot_dimension_numbers<[1], [1], [0], [0], [0, 0, 1, 0], [], []>, transpose_lhs_hint = false} : vector<256x128xf32>, vector<128x128xf32>, vector<256x128xf32> -> vector<256x128xf32>
    %swap3A_70 = arith.constant 0 : index
    %swap3A_71 = arith.constant 1024 : index
    %swap3A_72 = vector.load %arg5[%swap3A_70, %swap3A_71] : memref<256x1536xf32, #tpu.memory_space<vmem>>, vector<256x128xf32>
    tpu.vector_store %arg5[%swap3A_70, %swap3A_71], %dot_general3A_69 {strides = array<i32>} : memref<256x1536xf32, #tpu.memory_space<vmem>>, vector<256x128xf32>,
    %get3A_73 = arith.constant 256 : index
    %get3A_74 = arith.constant 0 : index
    %get3A_75 = vector.load %arg3[%get3A_73, %get3A_74] : memref<384x128xf32, #tpu.memory_space<vmem>>, vector<128x128xf32>
    %get3A_76 = arith.constant 0 : index
    %get3A_77 = arith.constant 256 : index
    %get3A_78 = vector.load %arg1[%get3A_76, %get3A_77] : memref<256x384xf32, #tpu.memory_space<vmem>>, vector<256x128xf32>
    %dot_general3A_79 = arith.constant dense<0.000000e+00> : vector<256x128xf32>
    %dot_general3A_80 = tpu.matmul %get3A_78, %get3A_75, %dot_general3A_79 {dimension_numbers = #tpu.dot_dimension_numbers<[1], [1], [0], [0], [0, 0, 1, 0], [], []>, transpose_lhs_hint = false} : vector<256x128xf32>, vector<128x128xf32>, vector<256x128xf32> -> vector<256x128xf32>
    %swap3A_81 = arith.constant 0 : index
    %swap3A_82 = arith.constant 256 : index
    %swap3A_83 = vector.load %arg5[%swap3A_81, %swap3A_82] : memref<256x1536xf32, #tpu.memory_space<vmem>>, vector<256x128xf32>
    tpu.vector_store %arg5[%swap3A_81, %swap3A_82], %dot_general3A_80 {strides = array<i32>} : memref<256x1536xf32, #tpu.memory_space<vmem>>, vector<256x128xf32>,
    %get3A_84 = arith.constant 256 : index
    %get3A_85 = arith.constant 0 : index
    %get3A_86 = vector.load %arg4[%get3A_84, %get3A_85] : memref<384x128xf32, #tpu.memory_space<vmem>>, vector<128x128xf32>
    %get3A_87 = arith.constant 0 : index
    %get3A_88 = arith.constant 768 : index
    %get3A_89 = vector.load %arg2[%get3A_87, %get3A_88] : memref<256x1152xf32, #tpu.memory_space<vmem>>, vector<256x128xf32>
    %dot_general3A_90 = arith.constant dense<0.000000e+00> : vector<256x128xf32>
    %dot_general3A_91 = tpu.matmul %get3A_89, %get3A_86, %dot_general3A_90 {dimension_numbers = #tpu.dot_dimension_numbers<[1], [1], [0], [0], [0, 0, 1, 0], [], []>, transpose_lhs_hint = false} : vector<256x128xf32>, vector<128x128xf32>, vector<256x128xf32> -> vector<256x128xf32>
    %swap3A_92 = arith.constant 0 : index
    %swap3A_93 = arith.constant 1152 : index
    %swap3A_94 = vector.load %arg5[%swap3A_92, %swap3A_93] : memref<256x1536xf32, #tpu.memory_space<vmem>>, vector<256x128xf32>
    tpu.vector_store %arg5[%swap3A_92, %swap3A_93], %dot_general3A_91 {strides = array<i32>} : memref<256x1536xf32, #tpu.memory_space<vmem>>, vector<256x128xf32>,
    %get3A_95 = arith.constant 0 : index
    %get3A_96 = arith.constant 896 : index
    %get3A_97 = vector.load %arg2[%get3A_95, %get3A_96] : memref<256x1152xf32, #tpu.memory_space<vmem>>, vector<256x128xf32>
    %dot_general3A_98 = arith.constant dense<0.000000e+00> : vector<256x128xf32>
    %dot_general3A_99 = tpu.matmul %get3A_97, %get3A_86, %dot_general3A_98 {dimension_numbers = #tpu.dot_dimension_numbers<[1], [1], [0], [0], [0, 0, 1, 0], [], []>, transpose_lhs_hint = false} : vector<256x128xf32>, vector<128x128xf32>, vector<256x128xf32> -> vector<256x128xf32>
    %swap3A_100 = arith.constant 0 : index
    %swap3A_101 = arith.constant 1280 : index
    %swap3A_102 = vector.load %arg5[%swap3A_100, %swap3A_101] : memref<256x1536xf32, #tpu.memory_space<vmem>>, vector<256x128xf32>
    tpu.vector_store %arg5[%swap3A_100, %swap3A_101], %dot_general3A_99 {strides = array<i32>} : memref<256x1536xf32, #tpu.memory_space<vmem>>, vector<256x128xf32>,
    %get3A_103 = arith.constant 0 : index
    %get3A_104 = arith.constant 1024 : index
    %get3A_105 = vector.load %arg2[%get3A_103, %get3A_104] : memref<256x1152xf32, #tpu.memory_space<vmem>>, vector<256x128xf32>
    %dot_general3A_106 = arith.constant dense<0.000000e+00> : vector<256x128xf32>
    %dot_general3A_107 = tpu.matmul %get3A_105, %get3A_86, %dot_general3A_106 {dimension_numbers = #tpu.dot_dimension_numbers<[1], [1], [0], [0], [0, 0, 1, 0], [], []>, transpose_lhs_hint = false} : vector<256x128xf32>, vector<128x128xf32>, vector<256x128xf32> -> vector<256x128xf32>
    %swap3A_108 = arith.constant 0 : index
    %swap3A_109 = arith.constant 1408 : index
    %swap3A_110 = vector.load %arg5[%swap3A_108, %swap3A_109] : memref<256x1536xf32, #tpu.memory_space<vmem>>, vector<256x128xf32>
    tpu.vector_store %arg5[%swap3A_108, %swap3A_109], %dot_general3A_107 {strides = array<i32>} : memref<256x1536xf32, #tpu.memory_space<vmem>>, vector<256x128xf32>,
    return
  }
  func.func @transform_0(%arg0: i32) -> (i32, i32) {
    %c0_i32 = arith.constant 0 : i32
    %c0_i32_0 = arith.constant 0 : i32
    return %arg0, %c0_i32 : i32, i32
  }
  func.func @transform_1(%arg0: i32) -> (i32, i32) {
    %c0_i32 = arith.constant 0 : i32
    %c0_i32_0 = arith.constant 0 : i32
    return %arg0, %c0_i32 : i32, i32
  }
  func.func @transform_2(%arg0: i32) -> (i32, i32) {
    %c0_i32 = arith.constant 0 : i32
    %c0_i32_0 = arith.constant 0 : i32
    %c0_i32_1 = arith.constant 0 : i32
    return %c0_i32, %c0_i32_0 : i32, i32
  }
  func.func @transform_3(%arg0: i32) -> (i32, i32) {
    %c0_i32 = arith.constant 0 : i32
    %c0_i32_0 = arith.constant 0 : i32
    %c0_i32_1 = arith.constant 0 : i32
    return %c0_i32, %c0_i32_0 : i32, i32
  }
  func.func @transform_4(%arg0: i32) -> (i32, i32) {
    %c0_i32 = arith.constant 0 : i32
    %c0_i32_0 = arith.constant 0 : i32
    return %arg0, %c0_i32 : i32, i32
  }
}

module attributes {stable_mosaic.version = 14 : i64} {
  func.func @_atom_kernel(%arg0: i32, %arg1: memref<512x128xf32, #tpu.memory_space<vmem>>, %arg2: memref<512x384xf32, #tpu.memory_space<vmem>>, %arg3: memref<512x48xf32, #tpu.memory_space<vmem>>, %arg4: memref<512x9xf32, #tpu.memory_space<vmem>>, %arg5: memref<512x1536xf32, #tpu.memory_space<vmem>>, %arg6: memref<1x1x512xi32, #tpu.memory_space<vmem>>, %arg7: memref<384x128xf32, #tpu.memory_space<vmem>>, %arg8: memref<3x128xf32, #tpu.memory_space<vmem>>, %arg9: memref<1152x128xf32, #tpu.memory_space<vmem>>, %arg10: memref<3x384xf32, #tpu.memory_space<vmem>>, %arg11: memref<1152x16xf32, #tpu.memory_space<vmem>>, %arg12: memref<3x384xf32, #tpu.memory_space<vmem>>, %arg13: memref<384x128xf32, #tpu.memory_space<vmem>>, %arg14: memref<3x128xf32, #tpu.memory_space<vmem>>, %arg15: memref<384x128xf32, #tpu.memory_space<vmem>>, %arg16: memref<3x128xf32, #tpu.memory_space<vmem>>, %arg17: memref<384x128xf32, #tpu.memory_space<vmem>>, %arg18: memref<2048x640xf32, #tpu.memory_space<vmem>>) attributes {dimension_semantics = [#tpu.dimension_semantics<arbitrary>], iteration_bounds = array<i64: 196>, scalar_prefetch = 0 : i64, scratch_operands = 0 : i64, tpu.core_type = #tpu.core_type<tc>, window_params = [{transform_indices = @transform_0, window_bounds = array<i64: 512, 128>}, {transform_indices = @transform_1, window_bounds = array<i64: 512, 384>}, {transform_indices = @transform_2, window_bounds = array<i64: 512, 48>}, {transform_indices = @transform_3, window_bounds = array<i64: 512, 9>}, {transform_indices = @transform_4, window_bounds = array<i64: 512, 1536>}, {transform_indices = @transform_5, window_bounds = array<i64: 1, 1, 512>}, {pipeline_mode = #tpu.pipeline_mode<synchronous>, transform_indices = @transform_6, window_bounds = array<i64: 384, 128>}, {pipeline_mode = #tpu.pipeline_mode<synchronous>, transform_indices = @transform_7, window_bounds = array<i64: 3, 128>}, {pipeline_mode = #tpu.pipeline_mode<synchronous>, transform_indices = @transform_8, window_bounds = array<i64: 1152, 128>}, {pipeline_mode = #tpu.pipeline_mode<synchronous>, transform_indices = @transform_9, window_bounds = array<i64: 3, 384>}, {pipeline_mode = #tpu.pipeline_mode<synchronous>, transform_indices = @transform_10, window_bounds = array<i64: 1152, 16>}, {pipeline_mode = #tpu.pipeline_mode<synchronous>, transform_indices = @transform_11, window_bounds = array<i64: 3, 384>}, {pipeline_mode = #tpu.pipeline_mode<synchronous>, transform_indices = @transform_12, window_bounds = array<i64: 384, 128>}, {pipeline_mode = #tpu.pipeline_mode<synchronous>, transform_indices = @transform_13, window_bounds = array<i64: 3, 128>}, {pipeline_mode = #tpu.pipeline_mode<synchronous>, transform_indices = @transform_14, window_bounds = array<i64: 384, 128>}, {pipeline_mode = #tpu.pipeline_mode<synchronous>, transform_indices = @transform_15, window_bounds = array<i64: 3, 128>}, {pipeline_mode = #tpu.pipeline_mode<synchronous>, transform_indices = @transform_16, window_bounds = array<i64: 384, 128>}, {pipeline_mode = #tpu.pipeline_mode<synchronous>, transform_indices = @transform_17, window_bounds = array<i64: 2048, 640>}]} {
    %get3A = arith.constant 0 : index
    %get3A_0 = arith.constant 0 : index
    %get3A_1 = vector.load %arg1[%get3A, %get3A_0] : memref<512x128xf32, #tpu.memory_space<vmem>>, vector<512x128xf32>
    %get3A_2 = arith.constant 0 : index
    %get3A_3 = arith.constant 0 : index
    %get3A_4 = vector.load %arg2[%get3A_2, %get3A_3] : memref<512x384xf32, #tpu.memory_space<vmem>>, vector<512x128xf32>
    %get3A_5 = arith.constant 0 : index
    %get3A_6 = arith.constant 128 : index
    %get3A_7 = vector.load %arg2[%get3A_5, %get3A_6] : memref<512x384xf32, #tpu.memory_space<vmem>>, vector<512x128xf32>
    %get3A_8 = arith.constant 0 : index
    %get3A_9 = arith.constant 256 : index
    %get3A_10 = vector.load %arg2[%get3A_8, %get3A_9] : memref<512x384xf32, #tpu.memory_space<vmem>>, vector<512x128xf32>
    %get3A_11 = arith.constant 0 : index
    %get3A_12 = arith.constant 0 : index
    %get3A_13 = vector.load %arg7[%get3A_11, %get3A_12] : memref<384x128xf32, #tpu.memory_space<vmem>>, vector<128x128xf32>
    %get3A_14 = arith.constant 0 : index
    %get3A_15 = arith.constant 0 : index
    %get3A_16 = vector.load %arg9[%get3A_14, %get3A_15] : memref<1152x128xf32, #tpu.memory_space<vmem>>, vector<384x128xf32>
    %get3A_17 = arith.constant 0 : index
    %get3A_18 = arith.constant 0 : index
    %get3A_19 = vector.load %arg11[%get3A_17, %get3A_18] : memref<1152x16xf32, #tpu.memory_space<vmem>>, vector<384x16xf32>
    %dot_general3A = arith.constant dense<0.000000e+00> : vector<512x128xf32>
    %dot_general3A_20 = tpu.matmul %get3A_1, %get3A_13, %dot_general3A {dimension_numbers = #tpu.dot_dimension_numbers<[1], [1], [0], [0], [0, 0, 1, 0], [], []>, transpose_lhs_hint = false} : vector<512x128xf32>, vector<128x128xf32>, vector<512x128xf32> -> vector<512x128xf32>
    %get3A_21 = arith.constant 0 : index
    %get3A_22 = arith.constant 0 : index
    %get3A_23 = vector.load %arg8[%get3A_21, %get3A_22] : memref<3x128xf32, #tpu.memory_space<vmem>>, vector<1x128xf32>
    %add3A = vector.broadcast %get3A_23 : vector<1x128xf32> to vector<512x128xf32>
    %add3A_24 = arith.addf %dot_general3A_20, %add3A : vector<512x128xf32>
    %logistic3A = arith.negf %add3A_24 : vector<512x128xf32>
    %logistic3A_25 = math.exp %logistic3A : vector<512x128xf32>
    %logistic3A_26 = arith.constant 1.000000e+00 : f32
    %logistic3A_27 = vector.broadcast %logistic3A_26 : f32 to vector<512x128xf32>
    %logistic3A_28 = arith.addf %logistic3A_27, %logistic3A_25 : vector<512x128xf32>
    %logistic3A_29 = arith.divf %logistic3A_27, %logistic3A_28 : vector<512x128xf32>
    %mul3A = arith.mulf %add3A_24, %logistic3A_29 : vector<512x128xf32>
    %mul3A_30 = arith.constant 1.66666663 : f32
    %mul3A_31 = vector.broadcast %mul3A_30 : f32 to vector<512x128xf32>
    %mul3A_32 = arith.mulf %mul3A, %mul3A_31 : vector<512x128xf32>
    %dot_general3A_33 = arith.constant dense<0.000000e+00> : vector<512x384xf32>
    %dot_general3A_34 = tpu.matmul %mul3A_32, %get3A_16, %dot_general3A_33 {dimension_numbers = #tpu.dot_dimension_numbers<[1], [1], [0], [0], [0, 0, 1, 0], [], []>, transpose_lhs_hint = false} : vector<512x128xf32>, vector<384x128xf32>, vector<512x384xf32> -> vector<512x384xf32>
    %get3A_35 = arith.constant 0 : index
    %get3A_36 = arith.constant 0 : index
    %get3A_37 = vector.load %arg10[%get3A_35, %get3A_36] : memref<3x384xf32, #tpu.memory_space<vmem>>, vector<1x384xf32>
    %add3A_38 = vector.broadcast %get3A_37 : vector<1x384xf32> to vector<512x384xf32>
    %add3A_39 = arith.addf %dot_general3A_34, %add3A_38 : vector<512x384xf32>
    %get3A_40 = arith.constant 0 : index
    %get3A_41 = arith.constant 0 : index
    %get3A_42 = vector.load %arg3[%get3A_40, %get3A_41] : memref<512x48xf32, #tpu.memory_space<vmem>>, vector<512x16xf32>
    %dot_general3A_43 = arith.constant dense<0.000000e+00> : vector<512x384xf32>
    %dot_general3A_44 = tpu.matmul %get3A_42, %get3A_19, %dot_general3A_43 {dimension_numbers = #tpu.dot_dimension_numbers<[1], [1], [0], [0], [0, 0, 1, 0], [], []>, transpose_lhs_hint = false} : vector<512x16xf32>, vector<384x16xf32>, vector<512x384xf32> -> vector<512x384xf32>
    %get3A_45 = arith.constant 0 : index
    %get3A_46 = arith.constant 0 : index
    %get3A_47 = vector.load %arg12[%get3A_45, %get3A_46] : memref<3x384xf32, #tpu.memory_space<vmem>>, vector<1x384xf32>
    %add3A_48 = vector.broadcast %get3A_47 : vector<1x384xf32> to vector<512x384xf32>
    %add3A_49 = arith.addf %dot_general3A_44, %add3A_48 : vector<512x384xf32>
    %mul3A_50 = arith.mulf %add3A_39, %add3A_49 : vector<512x384xf32>
    %mul3A_51 = arith.constant 0.577350259 : f32
    %mul3A_52 = vector.broadcast %mul3A_51 : f32 to vector<512x384xf32>
    %mul3A_53 = arith.mulf %mul3A_50, %mul3A_52 : vector<512x384xf32>
    %slice3A = vector.extract_strided_slice %mul3A_53 {offsets = [0, 0], sizes = [512, 128], strides = [1, 1]} : vector<512x384xf32> to vector<512x128xf32>
    %slice3A_54 = vector.extract_strided_slice %mul3A_53 {offsets = [0, 128], sizes = [512, 128], strides = [1, 1]} : vector<512x384xf32> to vector<512x128xf32>
    %slice3A_55 = vector.extract_strided_slice %mul3A_53 {offsets = [0, 256], sizes = [512, 128], strides = [1, 1]} : vector<512x384xf32> to vector<512x128xf32>
    %add3A_56 = arith.addf %get3A_1, %slice3A_55 : vector<512x128xf32>
    %get3A_57 = arith.constant 0 : index
    %get3A_58 = arith.constant 0 : index
    %get3A_59 = vector.load %arg4[%get3A_57, %get3A_58] : memref<512x9xf32, #tpu.memory_space<vmem>>, vector<512x1xf32>
    %mul3A_60 = arith.mulf %slice3A, %get3A_4 : vector<512x128xf32>
    %mul3A_61 = vector.broadcast %get3A_59 : vector<512x1xf32> to vector<512x128xf32>
    %mul3A_62 = arith.mulf %slice3A_54, %mul3A_61 : vector<512x128xf32>
    %add3A_63 = arith.addf %mul3A_60, %mul3A_62 : vector<512x128xf32>
    %mul3A_64 = arith.constant 0.0883883461 : f32
    %mul3A_65 = vector.broadcast %mul3A_64 : f32 to vector<512x128xf32>
    %mul3A_66 = arith.mulf %add3A_63, %mul3A_65 : vector<512x128xf32>
    %get3A_67 = arith.constant 0 : index
    %get3A_68 = arith.constant 1 : index
    %get3A_69 = vector.load %arg4[%get3A_67, %get3A_68] : memref<512x9xf32, #tpu.memory_space<vmem>>, vector<512x1xf32>
    %mul3A_70 = arith.mulf %slice3A, %get3A_7 : vector<512x128xf32>
    %mul3A_71 = vector.broadcast %get3A_69 : vector<512x1xf32> to vector<512x128xf32>
    %mul3A_72 = arith.mulf %slice3A_54, %mul3A_71 : vector<512x128xf32>
    %add3A_73 = arith.addf %mul3A_70, %mul3A_72 : vector<512x128xf32>
    %mul3A_74 = arith.constant 0.0883883461 : f32
    %mul3A_75 = vector.broadcast %mul3A_74 : f32 to vector<512x128xf32>
    %mul3A_76 = arith.mulf %add3A_73, %mul3A_75 : vector<512x128xf32>
    %get3A_77 = arith.constant 0 : index
    %get3A_78 = arith.constant 2 : index
    %get3A_79 = vector.load %arg4[%get3A_77, %get3A_78] : memref<512x9xf32, #tpu.memory_space<vmem>>, vector<512x1xf32>
    %mul3A_80 = arith.mulf %slice3A, %get3A_10 : vector<512x128xf32>
    %mul3A_81 = vector.broadcast %get3A_79 : vector<512x1xf32> to vector<512x128xf32>
    %mul3A_82 = arith.mulf %slice3A_54, %mul3A_81 : vector<512x128xf32>
    %add3A_83 = arith.addf %mul3A_80, %mul3A_82 : vector<512x128xf32>
    %mul3A_84 = arith.constant 0.0883883461 : f32
    %mul3A_85 = vector.broadcast %mul3A_84 : f32 to vector<512x128xf32>
    %mul3A_86 = arith.mulf %add3A_83, %mul3A_85 : vector<512x128xf32>
    %get3A_87 = arith.constant 0 : index
    %get3A_88 = arith.constant 0 : index
    %get3A_89 = vector.load %arg13[%get3A_87, %get3A_88] : memref<384x128xf32, #tpu.memory_space<vmem>>, vector<128x128xf32>
    %get3A_90 = arith.constant 0 : index
    %get3A_91 = arith.constant 0 : index
    %get3A_92 = vector.load %arg15[%get3A_90, %get3A_91] : memref<384x128xf32, #tpu.memory_space<vmem>>, vector<128x128xf32>
    %get3A_93 = arith.constant 0 : index
    %get3A_94 = arith.constant 0 : index
    %get3A_95 = vector.load %arg5[%get3A_93, %get3A_94] : memref<512x1536xf32, #tpu.memory_space<vmem>>, vector<512x128xf32>
    %dot_general3A_96 = arith.constant dense<0.000000e+00> : vector<512x128xf32>
    %dot_general3A_97 = tpu.matmul %add3A_56, %get3A_89, %dot_general3A_96 {dimension_numbers = #tpu.dot_dimension_numbers<[1], [1], [0], [0], [0, 0, 1, 0], [], []>, transpose_lhs_hint = false} : vector<512x128xf32>, vector<128x128xf32>, vector<512x128xf32> -> vector<512x128xf32>
    %add3A_98 = arith.addf %dot_general3A_97, %get3A_95 : vector<512x128xf32>
    %get3A_99 = arith.constant 0 : index
    %get3A_100 = arith.constant 0 : index
    %get3A_101 = vector.load %arg14[%get3A_99, %get3A_100] : memref<3x128xf32, #tpu.memory_space<vmem>>, vector<1x128xf32>
    %add3A_102 = vector.broadcast %get3A_101 : vector<1x128xf32> to vector<512x128xf32>
    %add3A_103 = arith.addf %add3A_98, %add3A_102 : vector<512x128xf32>
    %logistic3A_104 = arith.negf %add3A_103 : vector<512x128xf32>
    %logistic3A_105 = math.exp %logistic3A_104 : vector<512x128xf32>
    %logistic3A_106 = arith.constant 1.000000e+00 : f32
    %logistic3A_107 = vector.broadcast %logistic3A_106 : f32 to vector<512x128xf32>
    %logistic3A_108 = arith.addf %logistic3A_107, %logistic3A_105 : vector<512x128xf32>
    %logistic3A_109 = arith.divf %logistic3A_107, %logistic3A_108 : vector<512x128xf32>
    %mul3A_110 = arith.mulf %add3A_103, %logistic3A_109 : vector<512x128xf32>
    %mul3A_111 = arith.constant 1.66666663 : f32
    %mul3A_112 = vector.broadcast %mul3A_111 : f32 to vector<512x128xf32>
    %mul3A_113 = arith.mulf %mul3A_110, %mul3A_112 : vector<512x128xf32>
    %dot_general3A_114 = arith.constant dense<0.000000e+00> : vector<512x128xf32>
    %dot_general3A_115 = tpu.matmul %mul3A_113, %get3A_92, %dot_general3A_114 {dimension_numbers = #tpu.dot_dimension_numbers<[1], [1], [0], [0], [0, 0, 1, 0], [], []>, transpose_lhs_hint = false} : vector<512x128xf32>, vector<128x128xf32>, vector<512x128xf32> -> vector<512x128xf32>
    %get3A_116 = arith.constant 0 : index
    %get3A_117 = arith.constant 0 : index
    %get3A_118 = vector.load %arg16[%get3A_116, %get3A_117] : memref<3x128xf32, #tpu.memory_space<vmem>>, vector<1x128xf32>
    %add3A_119 = vector.broadcast %get3A_118 : vector<1x128xf32> to vector<512x128xf32>
    %add3A_120 = arith.addf %dot_general3A_115, %add3A_119 : vector<512x128xf32>
    %logistic3A_121 = arith.negf %add3A_120 : vector<512x128xf32>
    %logistic3A_122 = math.exp %logistic3A_121 : vector<512x128xf32>
    %logistic3A_123 = arith.constant 1.000000e+00 : f32
    %logistic3A_124 = vector.broadcast %logistic3A_123 : f32 to vector<512x128xf32>
    %logistic3A_125 = arith.addf %logistic3A_124, %logistic3A_122 : vector<512x128xf32>
    %logistic3A_126 = arith.divf %logistic3A_124, %logistic3A_125 : vector<512x128xf32>
    %mul3A_127 = arith.mulf %add3A_120, %logistic3A_126 : vector<512x128xf32>
    %mul3A_128 = arith.constant 1.66666663 : f32
    %mul3A_129 = vector.broadcast %mul3A_128 : f32 to vector<512x128xf32>
    %mul3A_130 = arith.mulf %mul3A_127, %mul3A_129 : vector<512x128xf32>
    %add3A_131 = arith.addf %add3A_56, %mul3A_130 : vector<512x128xf32>
    %get3A_132 = arith.constant 0 : index
    %get3A_133 = arith.constant 0 : index
    %get3A_134 = vector.load %arg17[%get3A_132, %get3A_133] : memref<384x128xf32, #tpu.memory_space<vmem>>, vector<128x128xf32>
    %get3A_135 = arith.constant 0 : index
    %get3A_136 = arith.constant 384 : index
    %get3A_137 = vector.load %arg5[%get3A_135, %get3A_136] : memref<512x1536xf32, #tpu.memory_space<vmem>>, vector<512x128xf32>
    %dot_general3A_138 = arith.constant dense<0.000000e+00> : vector<512x128xf32>
    %dot_general3A_139 = tpu.matmul %mul3A_66, %get3A_134, %dot_general3A_138 {dimension_numbers = #tpu.dot_dimension_numbers<[1], [1], [0], [0], [0, 0, 1, 0], [], []>, transpose_lhs_hint = false} : vector<512x128xf32>, vector<128x128xf32>, vector<512x128xf32> -> vector<512x128xf32>
    %add3A_140 = arith.addf %dot_general3A_139, %get3A_137 : vector<512x128xf32>
    %add3A_141 = arith.addf %add3A_140, %mul3A_66 : vector<512x128xf32>
    %get3A_142 = arith.constant 0 : index
    %get3A_143 = arith.constant 512 : index
    %get3A_144 = vector.load %arg5[%get3A_142, %get3A_143] : memref<512x1536xf32, #tpu.memory_space<vmem>>, vector<512x128xf32>
    %dot_general3A_145 = arith.constant dense<0.000000e+00> : vector<512x128xf32>
    %dot_general3A_146 = tpu.matmul %mul3A_76, %get3A_134, %dot_general3A_145 {dimension_numbers = #tpu.dot_dimension_numbers<[1], [1], [0], [0], [0, 0, 1, 0], [], []>, transpose_lhs_hint = false} : vector<512x128xf32>, vector<128x128xf32>, vector<512x128xf32> -> vector<512x128xf32>
    %add3A_147 = arith.addf %dot_general3A_146, %get3A_144 : vector<512x128xf32>
    %add3A_148 = arith.addf %add3A_147, %mul3A_76 : vector<512x128xf32>
    %get3A_149 = arith.constant 0 : index
    %get3A_150 = arith.constant 640 : index
    %get3A_151 = vector.load %arg5[%get3A_149, %get3A_150] : memref<512x1536xf32, #tpu.memory_space<vmem>>, vector<512x128xf32>
    %dot_general3A_152 = arith.constant dense<0.000000e+00> : vector<512x128xf32>
    %dot_general3A_153 = tpu.matmul %mul3A_86, %get3A_134, %dot_general3A_152 {dimension_numbers = #tpu.dot_dimension_numbers<[1], [1], [0], [0], [0, 0, 1, 0], [], []>, transpose_lhs_hint = false} : vector<512x128xf32>, vector<128x128xf32>, vector<512x128xf32> -> vector<512x128xf32>
    %add3A_154 = arith.addf %dot_general3A_153, %get3A_151 : vector<512x128xf32>
    %add3A_155 = arith.addf %add3A_154, %mul3A_86 : vector<512x128xf32>
    %get3A_156 = arith.constant 128 : index
    %get3A_157 = arith.constant 0 : index
    %get3A_158 = vector.load %arg7[%get3A_156, %get3A_157] : memref<384x128xf32, #tpu.memory_space<vmem>>, vector<128x128xf32>
    %get3A_159 = arith.constant 384 : index
    %get3A_160 = arith.constant 0 : index
    %get3A_161 = vector.load %arg9[%get3A_159, %get3A_160] : memref<1152x128xf32, #tpu.memory_space<vmem>>, vector<384x128xf32>
    %get3A_162 = arith.constant 384 : index
    %get3A_163 = arith.constant 0 : index
    %get3A_164 = vector.load %arg11[%get3A_162, %get3A_163] : memref<1152x16xf32, #tpu.memory_space<vmem>>, vector<384x16xf32>
    %dot_general3A_165 = arith.constant dense<0.000000e+00> : vector<512x128xf32>
    %dot_general3A_166 = tpu.matmul %add3A_131, %get3A_158, %dot_general3A_165 {dimension_numbers = #tpu.dot_dimension_numbers<[1], [1], [0], [0], [0, 0, 1, 0], [], []>, transpose_lhs_hint = false} : vector<512x128xf32>, vector<128x128xf32>, vector<512x128xf32> -> vector<512x128xf32>
    %get3A_167 = arith.constant 1 : index
    %get3A_168 = arith.constant 0 : index
    %get3A_169 = vector.load %arg8[%get3A_167, %get3A_168] : memref<3x128xf32, #tpu.memory_space<vmem>>, vector<1x128xf32>
    %add3A_170 = vector.broadcast %get3A_169 : vector<1x128xf32> to vector<512x128xf32>
    %add3A_171 = arith.addf %dot_general3A_166, %add3A_170 : vector<512x128xf32>
    %logistic3A_172 = arith.negf %add3A_171 : vector<512x128xf32>
    %logistic3A_173 = math.exp %logistic3A_172 : vector<512x128xf32>
    %logistic3A_174 = arith.constant 1.000000e+00 : f32
    %logistic3A_175 = vector.broadcast %logistic3A_174 : f32 to vector<512x128xf32>
    %logistic3A_176 = arith.addf %logistic3A_175, %logistic3A_173 : vector<512x128xf32>
    %logistic3A_177 = arith.divf %logistic3A_175, %logistic3A_176 : vector<512x128xf32>
    %mul3A_178 = arith.mulf %add3A_171, %logistic3A_177 : vector<512x128xf32>
    %mul3A_179 = arith.constant 1.66666663 : f32
    %mul3A_180 = vector.broadcast %mul3A_179 : f32 to vector<512x128xf32>
    %mul3A_181 = arith.mulf %mul3A_178, %mul3A_180 : vector<512x128xf32>
    %dot_general3A_182 = arith.constant dense<0.000000e+00> : vector<512x384xf32>
    %dot_general3A_183 = tpu.matmul %mul3A_181, %get3A_161, %dot_general3A_182 {dimension_numbers = #tpu.dot_dimension_numbers<[1], [1], [0], [0], [0, 0, 1, 0], [], []>, transpose_lhs_hint = false} : vector<512x128xf32>, vector<384x128xf32>, vector<512x384xf32> -> vector<512x384xf32>
    %get3A_184 = arith.constant 1 : index
    %get3A_185 = arith.constant 0 : index
    %get3A_186 = vector.load %arg10[%get3A_184, %get3A_185] : memref<3x384xf32, #tpu.memory_space<vmem>>, vector<1x384xf32>
    %add3A_187 = vector.broadcast %get3A_186 : vector<1x384xf32> to vector<512x384xf32>
    %add3A_188 = arith.addf %dot_general3A_183, %add3A_187 : vector<512x384xf32>
    %get3A_189 = arith.constant 0 : index
    %get3A_190 = arith.constant 16 : index
    %get3A_191 = vector.load %arg3[%get3A_189, %get3A_190] : memref<512x48xf32, #tpu.memory_space<vmem>>, vector<512x16xf32>
    %dot_general3A_192 = arith.constant dense<0.000000e+00> : vector<512x384xf32>
    %dot_general3A_193 = tpu.matmul %get3A_191, %get3A_164, %dot_general3A_192 {dimension_numbers = #tpu.dot_dimension_numbers<[1], [1], [0], [0], [0, 0, 1, 0], [], []>, transpose_lhs_hint = false} : vector<512x16xf32>, vector<384x16xf32>, vector<512x384xf32> -> vector<512x384xf32>
    %get3A_194 = arith.constant 1 : index
    %get3A_195 = arith.constant 0 : index
    %get3A_196 = vector.load %arg12[%get3A_194, %get3A_195] : memref<3x384xf32, #tpu.memory_space<vmem>>, vector<1x384xf32>
    %add3A_197 = vector.broadcast %get3A_196 : vector<1x384xf32> to vector<512x384xf32>
    %add3A_198 = arith.addf %dot_general3A_193, %add3A_197 : vector<512x384xf32>
    %mul3A_199 = arith.mulf %add3A_188, %add3A_198 : vector<512x384xf32>
    %mul3A_200 = arith.constant 0.577350259 : f32
    %mul3A_201 = vector.broadcast %mul3A_200 : f32 to vector<512x384xf32>
    %mul3A_202 = arith.mulf %mul3A_199, %mul3A_201 : vector<512x384xf32>
    %slice3A_203 = vector.extract_strided_slice %mul3A_202 {offsets = [0, 0], sizes = [512, 128], strides = [1, 1]} : vector<512x384xf32> to vector<512x128xf32>
    %slice3A_204 = vector.extract_strided_slice %mul3A_202 {offsets = [0, 128], sizes = [512, 128], strides = [1, 1]} : vector<512x384xf32> to vector<512x128xf32>
    %slice3A_205 = vector.extract_strided_slice %mul3A_202 {offsets = [0, 256], sizes = [512, 128], strides = [1, 1]} : vector<512x384xf32> to vector<512x128xf32>
    %add3A_206 = arith.addf %add3A_131, %slice3A_205 : vector<512x128xf32>
    %get3A_207 = arith.constant 0 : index
    %get3A_208 = arith.constant 3 : index
    %get3A_209 = vector.load %arg4[%get3A_207, %get3A_208] : memref<512x9xf32, #tpu.memory_space<vmem>>, vector<512x1xf32>
    %mul3A_210 = arith.mulf %slice3A_203, %add3A_141 : vector<512x128xf32>
    %mul3A_211 = vector.broadcast %get3A_209 : vector<512x1xf32> to vector<512x128xf32>
    %mul3A_212 = arith.mulf %slice3A_204, %mul3A_211 : vector<512x128xf32>
    %add3A_213 = arith.addf %mul3A_210, %mul3A_212 : vector<512x128xf32>
    %mul3A_214 = arith.constant 0.0883883461 : f32
    %mul3A_215 = vector.broadcast %mul3A_214 : f32 to vector<512x128xf32>
    %mul3A_216 = arith.mulf %add3A_213, %mul3A_215 : vector<512x128xf32>
    %get3A_217 = arith.constant 0 : index
    %get3A_218 = arith.constant 4 : index
    %get3A_219 = vector.load %arg4[%get3A_217, %get3A_218] : memref<512x9xf32, #tpu.memory_space<vmem>>, vector<512x1xf32>
    %mul3A_220 = arith.mulf %slice3A_203, %add3A_148 : vector<512x128xf32>
    %mul3A_221 = vector.broadcast %get3A_219 : vector<512x1xf32> to vector<512x128xf32>
    %mul3A_222 = arith.mulf %slice3A_204, %mul3A_221 : vector<512x128xf32>
    %add3A_223 = arith.addf %mul3A_220, %mul3A_222 : vector<512x128xf32>
    %mul3A_224 = arith.constant 0.0883883461 : f32
    %mul3A_225 = vector.broadcast %mul3A_224 : f32 to vector<512x128xf32>
    %mul3A_226 = arith.mulf %add3A_223, %mul3A_225 : vector<512x128xf32>
    %get3A_227 = arith.constant 0 : index
    %get3A_228 = arith.constant 5 : index
    %get3A_229 = vector.load %arg4[%get3A_227, %get3A_228] : memref<512x9xf32, #tpu.memory_space<vmem>>, vector<512x1xf32>
    %mul3A_230 = arith.mulf %slice3A_203, %add3A_155 : vector<512x128xf32>
    %mul3A_231 = vector.broadcast %get3A_229 : vector<512x1xf32> to vector<512x128xf32>
    %mul3A_232 = arith.mulf %slice3A_204, %mul3A_231 : vector<512x128xf32>
    %add3A_233 = arith.addf %mul3A_230, %mul3A_232 : vector<512x128xf32>
    %mul3A_234 = arith.constant 0.0883883461 : f32
    %mul3A_235 = vector.broadcast %mul3A_234 : f32 to vector<512x128xf32>
    %mul3A_236 = arith.mulf %add3A_233, %mul3A_235 : vector<512x128xf32>
    %get3A_237 = arith.constant 128 : index
    %get3A_238 = arith.constant 0 : index
    %get3A_239 = vector.load %arg13[%get3A_237, %get3A_238] : memref<384x128xf32, #tpu.memory_space<vmem>>, vector<128x128xf32>
    %get3A_240 = arith.constant 128 : index
    %get3A_241 = arith.constant 0 : index
    %get3A_242 = vector.load %arg15[%get3A_240, %get3A_241] : memref<384x128xf32, #tpu.memory_space<vmem>>, vector<128x128xf32>
    %get3A_243 = arith.constant 0 : index
    %get3A_244 = arith.constant 128 : index
    %get3A_245 = vector.load %arg5[%get3A_243, %get3A_244] : memref<512x1536xf32, #tpu.memory_space<vmem>>, vector<512x128xf32>
    %dot_general3A_246 = arith.constant dense<0.000000e+00> : vector<512x128xf32>
    %dot_general3A_247 = tpu.matmul %add3A_206, %get3A_239, %dot_general3A_246 {dimension_numbers = #tpu.dot_dimension_numbers<[1], [1], [0], [0], [0, 0, 1, 0], [], []>, transpose_lhs_hint = false} : vector<512x128xf32>, vector<128x128xf32>, vector<512x128xf32> -> vector<512x128xf32>
    %add3A_248 = arith.addf %dot_general3A_247, %get3A_245 : vector<512x128xf32>
    %get3A_249 = arith.constant 1 : index
    %get3A_250 = arith.constant 0 : index
    %get3A_251 = vector.load %arg14[%get3A_249, %get3A_250] : memref<3x128xf32, #tpu.memory_space<vmem>>, vector<1x128xf32>
    %add3A_252 = vector.broadcast %get3A_251 : vector<1x128xf32> to vector<512x128xf32>
    %add3A_253 = arith.addf %add3A_248, %add3A_252 : vector<512x128xf32>
    %logistic3A_254 = arith.negf %add3A_253 : vector<512x128xf32>
    %logistic3A_255 = math.exp %logistic3A_254 : vector<512x128xf32>
    %logistic3A_256 = arith.constant 1.000000e+00 : f32
    %logistic3A_257 = vector.broadcast %logistic3A_256 : f32 to vector<512x128xf32>
    %logistic3A_258 = arith.addf %logistic3A_257, %logistic3A_255 : vector<512x128xf32>
    %logistic3A_259 = arith.divf %logistic3A_257, %logistic3A_258 : vector<512x128xf32>
    %mul3A_260 = arith.mulf %add3A_253, %logistic3A_259 : vector<512x128xf32>
    %mul3A_261 = arith.constant 1.66666663 : f32
    %mul3A_262 = vector.broadcast %mul3A_261 : f32 to vector<512x128xf32>
    %mul3A_263 = arith.mulf %mul3A_260, %mul3A_262 : vector<512x128xf32>
    %dot_general3A_264 = arith.constant dense<0.000000e+00> : vector<512x128xf32>
    %dot_general3A_265 = tpu.matmul %mul3A_263, %get3A_242, %dot_general3A_264 {dimension_numbers = #tpu.dot_dimension_numbers<[1], [1], [0], [0], [0, 0, 1, 0], [], []>, transpose_lhs_hint = false} : vector<512x128xf32>, vector<128x128xf32>, vector<512x128xf32> -> vector<512x128xf32>
    %get3A_266 = arith.constant 1 : index
    %get3A_267 = arith.constant 0 : index
    %get3A_268 = vector.load %arg16[%get3A_266, %get3A_267] : memref<3x128xf32, #tpu.memory_space<vmem>>, vector<1x128xf32>
    %add3A_269 = vector.broadcast %get3A_268 : vector<1x128xf32> to vector<512x128xf32>
    %add3A_270 = arith.addf %dot_general3A_265, %add3A_269 : vector<512x128xf32>
    %logistic3A_271 = arith.negf %add3A_270 : vector<512x128xf32>
    %logistic3A_272 = math.exp %logistic3A_271 : vector<512x128xf32>
    %logistic3A_273 = arith.constant 1.000000e+00 : f32
    %logistic3A_274 = vector.broadcast %logistic3A_273 : f32 to vector<512x128xf32>
    %logistic3A_275 = arith.addf %logistic3A_274, %logistic3A_272 : vector<512x128xf32>
    %logistic3A_276 = arith.divf %logistic3A_274, %logistic3A_275 : vector<512x128xf32>
    %mul3A_277 = arith.mulf %add3A_270, %logistic3A_276 : vector<512x128xf32>
    %mul3A_278 = arith.constant 1.66666663 : f32
    %mul3A_279 = vector.broadcast %mul3A_278 : f32 to vector<512x128xf32>
    %mul3A_280 = arith.mulf %mul3A_277, %mul3A_279 : vector<512x128xf32>
    %add3A_281 = arith.addf %add3A_206, %mul3A_280 : vector<512x128xf32>
    %get3A_282 = arith.constant 128 : index
    %get3A_283 = arith.constant 0 : index
    %get3A_284 = vector.load %arg17[%get3A_282, %get3A_283] : memref<384x128xf32, #tpu.memory_space<vmem>>, vector<128x128xf32>
    %get3A_285 = arith.constant 0 : index
    %get3A_286 = arith.constant 768 : index
    %get3A_287 = vector.load %arg5[%get3A_285, %get3A_286] : memref<512x1536xf32, #tpu.memory_space<vmem>>, vector<512x128xf32>
    %dot_general3A_288 = arith.constant dense<0.000000e+00> : vector<512x128xf32>
    %dot_general3A_289 = tpu.matmul %mul3A_216, %get3A_284, %dot_general3A_288 {dimension_numbers = #tpu.dot_dimension_numbers<[1], [1], [0], [0], [0, 0, 1, 0], [], []>, transpose_lhs_hint = false} : vector<512x128xf32>, vector<128x128xf32>, vector<512x128xf32> -> vector<512x128xf32>
    %add3A_290 = arith.addf %dot_general3A_289, %get3A_287 : vector<512x128xf32>
    %add3A_291 = arith.addf %add3A_290, %mul3A_216 : vector<512x128xf32>
    %get3A_292 = arith.constant 0 : index
    %get3A_293 = arith.constant 896 : index
    %get3A_294 = vector.load %arg5[%get3A_292, %get3A_293] : memref<512x1536xf32, #tpu.memory_space<vmem>>, vector<512x128xf32>
    %dot_general3A_295 = arith.constant dense<0.000000e+00> : vector<512x128xf32>
    %dot_general3A_296 = tpu.matmul %mul3A_226, %get3A_284, %dot_general3A_295 {dimension_numbers = #tpu.dot_dimension_numbers<[1], [1], [0], [0], [0, 0, 1, 0], [], []>, transpose_lhs_hint = false} : vector<512x128xf32>, vector<128x128xf32>, vector<512x128xf32> -> vector<512x128xf32>
    %add3A_297 = arith.addf %dot_general3A_296, %get3A_294 : vector<512x128xf32>
    %add3A_298 = arith.addf %add3A_297, %mul3A_226 : vector<512x128xf32>
    %get3A_299 = arith.constant 0 : index
    %get3A_300 = arith.constant 1024 : index
    %get3A_301 = vector.load %arg5[%get3A_299, %get3A_300] : memref<512x1536xf32, #tpu.memory_space<vmem>>, vector<512x128xf32>
    %dot_general3A_302 = arith.constant dense<0.000000e+00> : vector<512x128xf32>
    %dot_general3A_303 = tpu.matmul %mul3A_236, %get3A_284, %dot_general3A_302 {dimension_numbers = #tpu.dot_dimension_numbers<[1], [1], [0], [0], [0, 0, 1, 0], [], []>, transpose_lhs_hint = false} : vector<512x128xf32>, vector<128x128xf32>, vector<512x128xf32> -> vector<512x128xf32>
    %add3A_304 = arith.addf %dot_general3A_303, %get3A_301 : vector<512x128xf32>
    %add3A_305 = arith.addf %add3A_304, %mul3A_236 : vector<512x128xf32>
    %get3A_306 = arith.constant 256 : index
    %get3A_307 = arith.constant 0 : index
    %get3A_308 = vector.load %arg7[%get3A_306, %get3A_307] : memref<384x128xf32, #tpu.memory_space<vmem>>, vector<128x128xf32>
    %get3A_309 = arith.constant 768 : index
    %get3A_310 = arith.constant 0 : index
    %get3A_311 = vector.load %arg9[%get3A_309, %get3A_310] : memref<1152x128xf32, #tpu.memory_space<vmem>>, vector<384x128xf32>
    %get3A_312 = arith.constant 768 : index
    %get3A_313 = arith.constant 0 : index
    %get3A_314 = vector.load %arg11[%get3A_312, %get3A_313] : memref<1152x16xf32, #tpu.memory_space<vmem>>, vector<384x16xf32>
    %dot_general3A_315 = arith.constant dense<0.000000e+00> : vector<512x128xf32>
    %dot_general3A_316 = tpu.matmul %add3A_281, %get3A_308, %dot_general3A_315 {dimension_numbers = #tpu.dot_dimension_numbers<[1], [1], [0], [0], [0, 0, 1, 0], [], []>, transpose_lhs_hint = false} : vector<512x128xf32>, vector<128x128xf32>, vector<512x128xf32> -> vector<512x128xf32>
    %get3A_317 = arith.constant 2 : index
    %get3A_318 = arith.constant 0 : index
    %get3A_319 = vector.load %arg8[%get3A_317, %get3A_318] : memref<3x128xf32, #tpu.memory_space<vmem>>, vector<1x128xf32>
    %add3A_320 = vector.broadcast %get3A_319 : vector<1x128xf32> to vector<512x128xf32>
    %add3A_321 = arith.addf %dot_general3A_316, %add3A_320 : vector<512x128xf32>
    %logistic3A_322 = arith.negf %add3A_321 : vector<512x128xf32>
    %logistic3A_323 = math.exp %logistic3A_322 : vector<512x128xf32>
    %logistic3A_324 = arith.constant 1.000000e+00 : f32
    %logistic3A_325 = vector.broadcast %logistic3A_324 : f32 to vector<512x128xf32>
    %logistic3A_326 = arith.addf %logistic3A_325, %logistic3A_323 : vector<512x128xf32>
    %logistic3A_327 = arith.divf %logistic3A_325, %logistic3A_326 : vector<512x128xf32>
    %mul3A_328 = arith.mulf %add3A_321, %logistic3A_327 : vector<512x128xf32>
    %mul3A_329 = arith.constant 1.66666663 : f32
    %mul3A_330 = vector.broadcast %mul3A_329 : f32 to vector<512x128xf32>
    %mul3A_331 = arith.mulf %mul3A_328, %mul3A_330 : vector<512x128xf32>
    %dot_general3A_332 = arith.constant dense<0.000000e+00> : vector<512x384xf32>
    %dot_general3A_333 = tpu.matmul %mul3A_331, %get3A_311, %dot_general3A_332 {dimension_numbers = #tpu.dot_dimension_numbers<[1], [1], [0], [0], [0, 0, 1, 0], [], []>, transpose_lhs_hint = false} : vector<512x128xf32>, vector<384x128xf32>, vector<512x384xf32> -> vector<512x384xf32>
    %get3A_334 = arith.constant 2 : index
    %get3A_335 = arith.constant 0 : index
    %get3A_336 = vector.load %arg10[%get3A_334, %get3A_335] : memref<3x384xf32, #tpu.memory_space<vmem>>, vector<1x384xf32>
    %add3A_337 = vector.broadcast %get3A_336 : vector<1x384xf32> to vector<512x384xf32>
    %add3A_338 = arith.addf %dot_general3A_333, %add3A_337 : vector<512x384xf32>
    %get3A_339 = arith.constant 0 : index
    %get3A_340 = arith.constant 32 : index
    %get3A_341 = vector.load %arg3[%get3A_339, %get3A_340] : memref<512x48xf32, #tpu.memory_space<vmem>>, vector<512x16xf32>
    %dot_general3A_342 = arith.constant dense<0.000000e+00> : vector<512x384xf32>
    %dot_general3A_343 = tpu.matmul %get3A_341, %get3A_314, %dot_general3A_342 {dimension_numbers = #tpu.dot_dimension_numbers<[1], [1], [0], [0], [0, 0, 1, 0], [], []>, transpose_lhs_hint = false} : vector<512x16xf32>, vector<384x16xf32>, vector<512x384xf32> -> vector<512x384xf32>
    %get3A_344 = arith.constant 2 : index
    %get3A_345 = arith.constant 0 : index
    %get3A_346 = vector.load %arg12[%get3A_344, %get3A_345] : memref<3x384xf32, #tpu.memory_space<vmem>>, vector<1x384xf32>
    %add3A_347 = vector.broadcast %get3A_346 : vector<1x384xf32> to vector<512x384xf32>
    %add3A_348 = arith.addf %dot_general3A_343, %add3A_347 : vector<512x384xf32>
    %mul3A_349 = arith.mulf %add3A_338, %add3A_348 : vector<512x384xf32>
    %mul3A_350 = arith.constant 0.577350259 : f32
    %mul3A_351 = vector.broadcast %mul3A_350 : f32 to vector<512x384xf32>
    %mul3A_352 = arith.mulf %mul3A_349, %mul3A_351 : vector<512x384xf32>
    %slice3A_353 = vector.extract_strided_slice %mul3A_352 {offsets = [0, 0], sizes = [512, 128], strides = [1, 1]} : vector<512x384xf32> to vector<512x128xf32>
    %slice3A_354 = vector.extract_strided_slice %mul3A_352 {offsets = [0, 128], sizes = [512, 128], strides = [1, 1]} : vector<512x384xf32> to vector<512x128xf32>
    %slice3A_355 = vector.extract_strided_slice %mul3A_352 {offsets = [0, 256], sizes = [512, 128], strides = [1, 1]} : vector<512x384xf32> to vector<512x128xf32>
    %add3A_356 = arith.addf %add3A_281, %slice3A_355 : vector<512x128xf32>
    %get3A_357 = arith.constant 0 : index
    %get3A_358 = arith.constant 6 : index
    %get3A_359 = vector.load %arg4[%get3A_357, %get3A_358] : memref<512x9xf32, #tpu.memory_space<vmem>>, vector<512x1xf32>
    %mul3A_360 = arith.mulf %slice3A_353, %add3A_291 : vector<512x128xf32>
    %mul3A_361 = vector.broadcast %get3A_359 : vector<512x1xf32> to vector<512x128xf32>
    %mul3A_362 = arith.mulf %slice3A_354, %mul3A_361 : vector<512x128xf32>
    %add3A_363 = arith.addf %mul3A_360, %mul3A_362 : vector<512x128xf32>
    %mul3A_364 = arith.constant 0.0883883461 : f32
    %mul3A_365 = vector.broadcast %mul3A_364 : f32 to vector<512x128xf32>
    %mul3A_366 = arith.mulf %add3A_363, %mul3A_365 : vector<512x128xf32>
    %get3A_367 = arith.constant 0 : index
    %get3A_368 = arith.constant 7 : index
    %get3A_369 = vector.load %arg4[%get3A_367, %get3A_368] : memref<512x9xf32, #tpu.memory_space<vmem>>, vector<512x1xf32>
    %mul3A_370 = arith.mulf %slice3A_353, %add3A_298 : vector<512x128xf32>
    %mul3A_371 = vector.broadcast %get3A_369 : vector<512x1xf32> to vector<512x128xf32>
    %mul3A_372 = arith.mulf %slice3A_354, %mul3A_371 : vector<512x128xf32>
    %add3A_373 = arith.addf %mul3A_370, %mul3A_372 : vector<512x128xf32>
    %mul3A_374 = arith.constant 0.0883883461 : f32
    %mul3A_375 = vector.broadcast %mul3A_374 : f32 to vector<512x128xf32>
    %mul3A_376 = arith.mulf %add3A_373, %mul3A_375 : vector<512x128xf32>
    %get3A_377 = arith.constant 0 : index
    %get3A_378 = arith.constant 8 : index
    %get3A_379 = vector.load %arg4[%get3A_377, %get3A_378] : memref<512x9xf32, #tpu.memory_space<vmem>>, vector<512x1xf32>
    %mul3A_380 = arith.mulf %slice3A_353, %add3A_305 : vector<512x128xf32>
    %mul3A_381 = vector.broadcast %get3A_379 : vector<512x1xf32> to vector<512x128xf32>
    %mul3A_382 = arith.mulf %slice3A_354, %mul3A_381 : vector<512x128xf32>
    %add3A_383 = arith.addf %mul3A_380, %mul3A_382 : vector<512x128xf32>
    %mul3A_384 = arith.constant 0.0883883461 : f32
    %mul3A_385 = vector.broadcast %mul3A_384 : f32 to vector<512x128xf32>
    %mul3A_386 = arith.mulf %add3A_383, %mul3A_385 : vector<512x128xf32>
    %get3A_387 = arith.constant 256 : index
    %get3A_388 = arith.constant 0 : index
    %get3A_389 = vector.load %arg13[%get3A_387, %get3A_388] : memref<384x128xf32, #tpu.memory_space<vmem>>, vector<128x128xf32>
    %get3A_390 = arith.constant 256 : index
    %get3A_391 = arith.constant 0 : index
    %get3A_392 = vector.load %arg15[%get3A_390, %get3A_391] : memref<384x128xf32, #tpu.memory_space<vmem>>, vector<128x128xf32>
    %get3A_393 = arith.constant 0 : index
    %get3A_394 = arith.constant 256 : index
    %get3A_395 = vector.load %arg5[%get3A_393, %get3A_394] : memref<512x1536xf32, #tpu.memory_space<vmem>>, vector<512x128xf32>
    %dot_general3A_396 = arith.constant dense<0.000000e+00> : vector<512x128xf32>
    %dot_general3A_397 = tpu.matmul %add3A_356, %get3A_389, %dot_general3A_396 {dimension_numbers = #tpu.dot_dimension_numbers<[1], [1], [0], [0], [0, 0, 1, 0], [], []>, transpose_lhs_hint = false} : vector<512x128xf32>, vector<128x128xf32>, vector<512x128xf32> -> vector<512x128xf32>
    %add3A_398 = arith.addf %dot_general3A_397, %get3A_395 : vector<512x128xf32>
    %get3A_399 = arith.constant 2 : index
    %get3A_400 = arith.constant 0 : index
    %get3A_401 = vector.load %arg14[%get3A_399, %get3A_400] : memref<3x128xf32, #tpu.memory_space<vmem>>, vector<1x128xf32>
    %add3A_402 = vector.broadcast %get3A_401 : vector<1x128xf32> to vector<512x128xf32>
    %add3A_403 = arith.addf %add3A_398, %add3A_402 : vector<512x128xf32>
    %logistic3A_404 = arith.negf %add3A_403 : vector<512x128xf32>
    %logistic3A_405 = math.exp %logistic3A_404 : vector<512x128xf32>
    %logistic3A_406 = arith.constant 1.000000e+00 : f32
    %logistic3A_407 = vector.broadcast %logistic3A_406 : f32 to vector<512x128xf32>
    %logistic3A_408 = arith.addf %logistic3A_407, %logistic3A_405 : vector<512x128xf32>
    %logistic3A_409 = arith.divf %logistic3A_407, %logistic3A_408 : vector<512x128xf32>
    %mul3A_410 = arith.mulf %add3A_403, %logistic3A_409 : vector<512x128xf32>
    %mul3A_411 = arith.constant 1.66666663 : f32
    %mul3A_412 = vector.broadcast %mul3A_411 : f32 to vector<512x128xf32>
    %mul3A_413 = arith.mulf %mul3A_410, %mul3A_412 : vector<512x128xf32>
    %dot_general3A_414 = arith.constant dense<0.000000e+00> : vector<512x128xf32>
    %dot_general3A_415 = tpu.matmul %mul3A_413, %get3A_392, %dot_general3A_414 {dimension_numbers = #tpu.dot_dimension_numbers<[1], [1], [0], [0], [0, 0, 1, 0], [], []>, transpose_lhs_hint = false} : vector<512x128xf32>, vector<128x128xf32>, vector<512x128xf32> -> vector<512x128xf32>
    %get3A_416 = arith.constant 2 : index
    %get3A_417 = arith.constant 0 : index
    %get3A_418 = vector.load %arg16[%get3A_416, %get3A_417] : memref<3x128xf32, #tpu.memory_space<vmem>>, vector<1x128xf32>
    %add3A_419 = vector.broadcast %get3A_418 : vector<1x128xf32> to vector<512x128xf32>
    %add3A_420 = arith.addf %dot_general3A_415, %add3A_419 : vector<512x128xf32>
    %logistic3A_421 = arith.negf %add3A_420 : vector<512x128xf32>
    %logistic3A_422 = math.exp %logistic3A_421 : vector<512x128xf32>
    %logistic3A_423 = arith.constant 1.000000e+00 : f32
    %logistic3A_424 = vector.broadcast %logistic3A_423 : f32 to vector<512x128xf32>
    %logistic3A_425 = arith.addf %logistic3A_424, %logistic3A_422 : vector<512x128xf32>
    %logistic3A_426 = arith.divf %logistic3A_424, %logistic3A_425 : vector<512x128xf32>
    %mul3A_427 = arith.mulf %add3A_420, %logistic3A_426 : vector<512x128xf32>
    %mul3A_428 = arith.constant 1.66666663 : f32
    %mul3A_429 = vector.broadcast %mul3A_428 : f32 to vector<512x128xf32>
    %mul3A_430 = arith.mulf %mul3A_427, %mul3A_429 : vector<512x128xf32>
    %add3A_431 = arith.addf %add3A_356, %mul3A_430 : vector<512x128xf32>
    %get3A_432 = arith.constant 256 : index
    %get3A_433 = arith.constant 0 : index
    %get3A_434 = vector.load %arg17[%get3A_432, %get3A_433] : memref<384x128xf32, #tpu.memory_space<vmem>>, vector<128x128xf32>
    %get3A_435 = arith.constant 0 : index
    %get3A_436 = arith.constant 1152 : index
    %get3A_437 = vector.load %arg5[%get3A_435, %get3A_436] : memref<512x1536xf32, #tpu.memory_space<vmem>>, vector<512x128xf32>
    %dot_general3A_438 = arith.constant dense<0.000000e+00> : vector<512x128xf32>
    %dot_general3A_439 = tpu.matmul %mul3A_366, %get3A_434, %dot_general3A_438 {dimension_numbers = #tpu.dot_dimension_numbers<[1], [1], [0], [0], [0, 0, 1, 0], [], []>, transpose_lhs_hint = false} : vector<512x128xf32>, vector<128x128xf32>, vector<512x128xf32> -> vector<512x128xf32>
    %add3A_440 = arith.addf %dot_general3A_439, %get3A_437 : vector<512x128xf32>
    %add3A_441 = arith.addf %add3A_440, %mul3A_366 : vector<512x128xf32>
    %get3A_442 = arith.constant 0 : index
    %get3A_443 = arith.constant 1280 : index
    %get3A_444 = vector.load %arg5[%get3A_442, %get3A_443] : memref<512x1536xf32, #tpu.memory_space<vmem>>, vector<512x128xf32>
    %dot_general3A_445 = arith.constant dense<0.000000e+00> : vector<512x128xf32>
    %dot_general3A_446 = tpu.matmul %mul3A_376, %get3A_434, %dot_general3A_445 {dimension_numbers = #tpu.dot_dimension_numbers<[1], [1], [0], [0], [0, 0, 1, 0], [], []>, transpose_lhs_hint = false} : vector<512x128xf32>, vector<128x128xf32>, vector<512x128xf32> -> vector<512x128xf32>
    %add3A_447 = arith.addf %dot_general3A_446, %get3A_444 : vector<512x128xf32>
    %add3A_448 = arith.addf %add3A_447, %mul3A_376 : vector<512x128xf32>
    %get3A_449 = arith.constant 0 : index
    %get3A_450 = arith.constant 1408 : index
    %get3A_451 = vector.load %arg5[%get3A_449, %get3A_450] : memref<512x1536xf32, #tpu.memory_space<vmem>>, vector<512x128xf32>
    %dot_general3A_452 = arith.constant dense<0.000000e+00> : vector<512x128xf32>
    %dot_general3A_453 = tpu.matmul %mul3A_386, %get3A_434, %dot_general3A_452 {dimension_numbers = #tpu.dot_dimension_numbers<[1], [1], [0], [0], [0, 0, 1, 0], [], []>, transpose_lhs_hint = false} : vector<512x128xf32>, vector<128x128xf32>, vector<512x128xf32> -> vector<512x128xf32>
    %add3A_454 = arith.addf %dot_general3A_453, %get3A_451 : vector<512x128xf32>
    %add3A_455 = arith.addf %add3A_454, %mul3A_386 : vector<512x128xf32>
    %mul3A_456 = arith.constant 512 : i32
    %mul3A_457 = arith.muli %arg0, %mul3A_456 : i32
    %iota3A = tpu.iota {dimensions = array<i32: 0>} : vector<512x1xi32>
    %add3A_458 = vector.broadcast %mul3A_457 : i32 to vector<512x1xi32>
    %add3A_459 = arith.addi %add3A_458, %iota3A : vector<512x1xi32>
    %lt3A = arith.constant 100000 : i32
    %lt3A_460 = vector.broadcast %lt3A : i32 to vector<512x1xi32>
    %lt3A_461 = arith.cmpi slt, %add3A_459, %lt3A_460 : vector<512x1xi32>
    %jit3A = arith.constant 0.000000e+00 : f32
    %broadcast_in_dim3A = vector.shape_cast %lt3A_461 : vector<512x1xi1> to vector<512x1xi1>
    %broadcast_in_dim3A_462 = vector.broadcast %broadcast_in_dim3A : vector<512x1xi1> to vector<512x128xi1>
    %broadcast_in_dim3A_463 = vector.broadcast %jit3A : f32 to vector<512x128xf32>
    %select_n3A = arith.select %broadcast_in_dim3A_462, %add3A_431, %broadcast_in_dim3A_463 : vector<512x128xi1>, vector<512x128xf32>
    %jit3A_464 = arith.constant 0.000000e+00 : f32
    %broadcast_in_dim3A_465 = vector.shape_cast %lt3A_461 : vector<512x1xi1> to vector<512x1xi1>
    %broadcast_in_dim3A_466 = vector.broadcast %broadcast_in_dim3A_465 : vector<512x1xi1> to vector<512x128xi1>
    %broadcast_in_dim3A_467 = vector.broadcast %jit3A_464 : f32 to vector<512x128xf32>
    %select_n3A_468 = arith.select %broadcast_in_dim3A_466, %add3A_441, %broadcast_in_dim3A_467 : vector<512x128xi1>, vector<512x128xf32>
    %jit3A_469 = arith.constant 0.000000e+00 : f32
    %broadcast_in_dim3A_470 = vector.shape_cast %lt3A_461 : vector<512x1xi1> to vector<512x1xi1>
    %broadcast_in_dim3A_471 = vector.broadcast %broadcast_in_dim3A_470 : vector<512x1xi1> to vector<512x128xi1>
    %broadcast_in_dim3A_472 = vector.broadcast %jit3A_469 : f32 to vector<512x128xf32>
    %select_n3A_473 = arith.select %broadcast_in_dim3A_471, %add3A_448, %broadcast_in_dim3A_472 : vector<512x128xi1>, vector<512x128xf32>
    %jit3A_474 = arith.constant 0.000000e+00 : f32
    %broadcast_in_dim3A_475 = vector.shape_cast %lt3A_461 : vector<512x1xi1> to vector<512x1xi1>
    %broadcast_in_dim3A_476 = vector.broadcast %broadcast_in_dim3A_475 : vector<512x1xi1> to vector<512x128xi1>
    %broadcast_in_dim3A_477 = vector.broadcast %jit3A_474 : f32 to vector<512x128xf32>
    %select_n3A_478 = arith.select %broadcast_in_dim3A_476, %add3A_455, %broadcast_in_dim3A_477 : vector<512x128xi1>, vector<512x128xf32>
    %jit3A_479 = arith.constant 1.000000e+00 : f32
    %jit3A_480 = arith.constant 0.000000e+00 : f32
    %broadcast_in_dim3A_481 = vector.broadcast %jit3A_479 : f32 to vector<512x1xf32>
    %broadcast_in_dim3A_482 = vector.broadcast %jit3A_480 : f32 to vector<512x1xf32>
    %select_n3A_483 = arith.select %lt3A_461, %broadcast_in_dim3A_481, %broadcast_in_dim3A_482 : vector<512x1xi1>, vector<512x1xf32>
    %broadcast_in_dim3A_484 = vector.shape_cast %select_n3A_483 : vector<512x1xf32> to vector<512x1xf32>
    %broadcast_in_dim3A_485 = vector.broadcast %broadcast_in_dim3A_484 : vector<512x1xf32> to vector<512x128xf32>
    %concatenate3A = tpu.concatenate %select_n3A, %select_n3A_468, %select_n3A_473, %select_n3A_478, %broadcast_in_dim3A_485 in 1 : vector<512x128xf32>, vector<512x128xf32>, vector<512x128xf32>, vector<512x128xf32>, vector<512x128xf32> -> vector<512x640xf32>
    %convert_element_type3A = arith.truncf %concatenate3A : vector<512x640xf32> to vector<512x640xbf16>
    %iota3A_486 = tpu.iota {dimensions = array<i32: 0>} : vector<2048x512xi32>
    %get3A_487 = arith.constant 0 : index
    %get3A_488 = arith.constant 0 : index
    %get3A_489 = arith.constant 0 : index
    %get3A_490 = vector.load %arg6[%get3A_487, %get3A_488, %get3A_489] : memref<1x1x512xi32, #tpu.memory_space<vmem>>, vector<1x1x512xi32>
    %get3A_491 = vector.shape_cast %get3A_490 : vector<1x1x512xi32> to vector<1x512xi32>
    %eq3A = vector.broadcast %get3A_491 : vector<1x512xi32> to vector<2048x512xi32>
    %eq3A_492 = arith.cmpi eq, %iota3A_486, %eq3A : vector<2048x512xi32>
    %convert_element_type3A_493 = arith.extui %eq3A_492 : vector<2048x512xi1> to vector<2048x512xi32>
    %convert_element_type3A_494 = arith.sitofp %convert_element_type3A_493 : vector<2048x512xi32> to vector<2048x512xf32>
    %convert_element_type3A_495 = arith.truncf %convert_element_type3A_494 : vector<2048x512xf32> to vector<2048x512xbf16>
    %eq3A_496 = arith.constant 0 : i32
    %eq3A_497 = arith.cmpi eq, %arg0, %eq3A_496 : i32
    %convert_element_type3A_498 = arith.extui %eq3A_497 : i1 to i32
    %cond3A = arith.constant 0 : i32
    %cond3A_499 = arith.cmpi ne, %convert_element_type3A_498, %cond3A : i32
    scf.if %cond3A_499 {
      %broadcast_in_dim3A_508 = arith.constant 0.000000e+00 : f32
      %broadcast_in_dim3A_509 = vector.broadcast %broadcast_in_dim3A_508 : f32 to vector<2048x640xf32>
      %swap3A_510 = arith.constant 0 : index
      %swap3A_511 = arith.constant 0 : index
      %swap3A_512 = vector.load %arg18[%swap3A_510, %swap3A_511] : memref<2048x640xf32, #tpu.memory_space<vmem>>, vector<2048x640xf32>
      tpu.vector_store %arg18[%swap3A_510, %swap3A_511], %broadcast_in_dim3A_509 {strides = array<i32>} : memref<2048x640xf32, #tpu.memory_space<vmem>>, vector<2048x640xf32>,
    } else {
    }
    %get3A_500 = arith.constant 0 : index
    %get3A_501 = arith.constant 0 : index
    %get3A_502 = vector.load %arg18[%get3A_500, %get3A_501] : memref<2048x640xf32, #tpu.memory_space<vmem>>, vector<2048x640xf32>
    %dot_general3A_503 = arith.constant dense<0.000000e+00> : vector<2048x640xf32>
    %dot_general3A_504 = tpu.matmul %convert_element_type3A_495, %convert_element_type3A, %dot_general3A_503 {dimension_numbers = #tpu.dot_dimension_numbers<[1], [0], [0], [1], [0, 0, 1, 1], [], []>, transpose_lhs_hint = false} : vector<2048x512xbf16>, vector<512x640xbf16>, vector<2048x640xf32> -> vector<2048x640xf32>
    %add3A_505 = arith.addf %get3A_502, %dot_general3A_504 : vector<2048x640xf32>
    %swap3A = arith.constant 0 : index
    %swap3A_506 = arith.constant 0 : index
    %swap3A_507 = vector.load %arg18[%swap3A, %swap3A_506] : memref<2048x640xf32, #tpu.memory_space<vmem>>, vector<2048x640xf32>
    tpu.vector_store %arg18[%swap3A, %swap3A_506], %add3A_505 {strides = array<i32>} : memref<2048x640xf32, #tpu.memory_space<vmem>>, vector<2048x640xf32>,
    return
  }
  func.func @transform_0(%arg0: i32) -> (i32, i32) {
    %c0_i32 = arith.constant 0 : i32
    %c0_i32_0 = arith.constant 0 : i32
    return %arg0, %c0_i32 : i32, i32
  }
  func.func @transform_1(%arg0: i32) -> (i32, i32) {
    %c0_i32 = arith.constant 0 : i32
    %c0_i32_0 = arith.constant 0 : i32
    return %arg0, %c0_i32 : i32, i32
  }
  func.func @transform_2(%arg0: i32) -> (i32, i32) {
    %c0_i32 = arith.constant 0 : i32
    %c0_i32_0 = arith.constant 0 : i32
    return %arg0, %c0_i32 : i32, i32
  }
  func.func @transform_3(%arg0: i32) -> (i32, i32) {
    %c0_i32 = arith.constant 0 : i32
    %c0_i32_0 = arith.constant 0 : i32
    return %arg0, %c0_i32 : i32, i32
  }
  func.func @transform_4(%arg0: i32) -> (i32, i32) {
    %c0_i32 = arith.constant 0 : i32
    %c0_i32_0 = arith.constant 0 : i32
    return %arg0, %c0_i32 : i32, i32
  }
  func.func @transform_5(%arg0: i32) -> (i32, i32, i32) {
    %c0_i32 = arith.constant 0 : i32
    %c0_i32_0 = arith.constant 0 : i32
    %c0_i32_1 = arith.constant 0 : i32
    return %arg0, %c0_i32, %c0_i32_0 : i32, i32, i32
  }
  func.func @transform_6(%arg0: i32) -> (i32, i32) {
    %c0_i32 = arith.constant 0 : i32
    %c0_i32_0 = arith.constant 0 : i32
    %c0_i32_1 = arith.constant 0 : i32
    return %c0_i32, %c0_i32_0 : i32, i32
  }
  func.func @transform_7(%arg0: i32) -> (i32, i32) {
    %c0_i32 = arith.constant 0 : i32
    %c0_i32_0 = arith.constant 0 : i32
    %c0_i32_1 = arith.constant 0 : i32
    return %c0_i32, %c0_i32_0 : i32, i32
  }
  func.func @transform_8(%arg0: i32) -> (i32, i32) {
    %c0_i32 = arith.constant 0 : i32
    %c0_i32_0 = arith.constant 0 : i32
    %c0_i32_1 = arith.constant 0 : i32
    return %c0_i32, %c0_i32_0 : i32, i32
  }
  func.func @transform_9(%arg0: i32) -> (i32, i32) {
    %c0_i32 = arith.constant 0 : i32
    %c0_i32_0 = arith.constant 0 : i32
    %c0_i32_1 = arith.constant 0 : i32
    return %c0_i32, %c0_i32_0 : i32, i32
  }
  func.func @transform_10(%arg0: i32) -> (i32, i32) {
    %c0_i32 = arith.constant 0 : i32
    %c0_i32_0 = arith.constant 0 : i32
    %c0_i32_1 = arith.constant 0 : i32
    return %c0_i32, %c0_i32_0 : i32, i32
  }
  func.func @transform_11(%arg0: i32) -> (i32, i32) {
    %c0_i32 = arith.constant 0 : i32
    %c0_i32_0 = arith.constant 0 : i32
    %c0_i32_1 = arith.constant 0 : i32
    return %c0_i32, %c0_i32_0 : i32, i32
  }
  func.func @transform_12(%arg0: i32) -> (i32, i32) {
    %c0_i32 = arith.constant 0 : i32
    %c0_i32_0 = arith.constant 0 : i32
    %c0_i32_1 = arith.constant 0 : i32
    return %c0_i32, %c0_i32_0 : i32, i32
  }
  func.func @transform_13(%arg0: i32) -> (i32, i32) {
    %c0_i32 = arith.constant 0 : i32
    %c0_i32_0 = arith.constant 0 : i32
    %c0_i32_1 = arith.constant 0 : i32
    return %c0_i32, %c0_i32_0 : i32, i32
  }
  func.func @transform_14(%arg0: i32) -> (i32, i32) {
    %c0_i32 = arith.constant 0 : i32
    %c0_i32_0 = arith.constant 0 : i32
    %c0_i32_1 = arith.constant 0 : i32
    return %c0_i32, %c0_i32_0 : i32, i32
  }
  func.func @transform_15(%arg0: i32) -> (i32, i32) {
    %c0_i32 = arith.constant 0 : i32
    %c0_i32_0 = arith.constant 0 : i32
    %c0_i32_1 = arith.constant 0 : i32
    return %c0_i32, %c0_i32_0 : i32, i32
  }
  func.func @transform_16(%arg0: i32) -> (i32, i32) {
    %c0_i32 = arith.constant 0 : i32
    %c0_i32_0 = arith.constant 0 : i32
    %c0_i32_1 = arith.constant 0 : i32
    return %c0_i32, %c0_i32_0 : i32, i32
  }
  func.func @transform_17(%arg0: i32) -> (i32, i32) {
    %c0_i32 = arith.constant 0 : i32
    %c0_i32_0 = arith.constant 0 : i32
    %c0_i32_1 = arith.constant 0 : i32
    return %c0_i32, %c0_i32_0 : i32, i32
  }
}

module attributes {stable_mosaic.version = 14 : i64} {
  func.func @_axis_kernel(%arg0: i32, %arg1: memref<256x640xf32, #tpu.memory_space<vmem>>, %arg2: memref<256x384xf32, #tpu.memory_space<vmem>>, %arg3: memref<256x1152xf32, #tpu.memory_space<vmem>>, %arg4: memref<384x128xf32, #tpu.memory_space<vmem>>, %arg5: memref<384x128xf32, #tpu.memory_space<vmem>>, %arg6: memref<3x128xf32, #tpu.memory_space<vmem>>, %arg7: memref<384x128xf32, #tpu.memory_space<vmem>>, %arg8: memref<3x128xf32, #tpu.memory_space<vmem>>, %arg9: memref<384x128xf32, #tpu.memory_space<vmem>>, %arg10: memref<768x128xf32, #tpu.memory_space<vmem>>, %arg11: memref<384x128xf32, #tpu.memory_space<vmem>>, %arg12: memref<384x128xf32, #tpu.memory_space<vmem>>, %arg13: memref<3x128xf32, #tpu.memory_space<vmem>>, %arg14: memref<1152x128xf32, #tpu.memory_space<vmem>>, %arg15: memref<3x384xf32, #tpu.memory_space<vmem>>, %arg16: memref<3x128xf32, #tpu.memory_space<vmem>>, %arg17: memref<9x3xf32, #tpu.memory_space<smem>>, %arg18: memref<256x9xf32, #tpu.memory_space<vmem>>) attributes {dimension_semantics = [#tpu.dimension_semantics<arbitrary>], iteration_bounds = array<i64: 8>, scalar_prefetch = 0 : i64, scratch_operands = 0 : i64, tpu.core_type = #tpu.core_type<tc>, window_params = [{transform_indices = @transform_0, window_bounds = array<i64: 256, 640>}, {transform_indices = @transform_1, window_bounds = array<i64: 256, 384>}, {transform_indices = @transform_2, window_bounds = array<i64: 256, 1152>}, {pipeline_mode = #tpu.pipeline_mode<synchronous>, transform_indices = @transform_3, window_bounds = array<i64: 384, 128>}, {pipeline_mode = #tpu.pipeline_mode<synchronous>, transform_indices = @transform_4, window_bounds = array<i64: 384, 128>}, {pipeline_mode = #tpu.pipeline_mode<synchronous>, transform_indices = @transform_5, window_bounds = array<i64: 3, 128>}, {pipeline_mode = #tpu.pipeline_mode<synchronous>, transform_indices = @transform_6, window_bounds = array<i64: 384, 128>}, {pipeline_mode = #tpu.pipeline_mode<synchronous>, transform_indices = @transform_7, window_bounds = array<i64: 3, 128>}, {pipeline_mode = #tpu.pipeline_mode<synchronous>, transform_indices = @transform_8, window_bounds = array<i64: 384, 128>}, {pipeline_mode = #tpu.pipeline_mode<synchronous>, transform_indices = @transform_9, window_bounds = array<i64: 768, 128>}, {pipeline_mode = #tpu.pipeline_mode<synchronous>, transform_indices = @transform_10, window_bounds = array<i64: 384, 128>}, {pipeline_mode = #tpu.pipeline_mode<synchronous>, transform_indices = @transform_11, window_bounds = array<i64: 384, 128>}, {pipeline_mode = #tpu.pipeline_mode<synchronous>, transform_indices = @transform_12, window_bounds = array<i64: 3, 128>}, {pipeline_mode = #tpu.pipeline_mode<synchronous>, transform_indices = @transform_13, window_bounds = array<i64: 1152, 128>}, {pipeline_mode = #tpu.pipeline_mode<synchronous>, transform_indices = @transform_14, window_bounds = array<i64: 3, 384>}, {pipeline_mode = #tpu.pipeline_mode<synchronous>, transform_indices = @transform_15, window_bounds = array<i64: 3, 128>}, {transform_indices = @transform_16, window_bounds = array<i64: 9, 3>}, {transform_indices = @transform_17, window_bounds = array<i64: 256, 9>}]} {
    %get3A = arith.constant 0 : index
    %get3A_0 = arith.constant 0 : index
    %get3A_1 = vector.load %arg1[%get3A, %get3A_0] : memref<256x640xf32, #tpu.memory_space<vmem>>, vector<256x640xf32>
    %slice3A = vector.extract_strided_slice %get3A_1 {offsets = [0, 512], sizes = [256, 1], strides = [1, 1]} : vector<256x640xf32> to vector<256x1xf32>
    %max3A = arith.constant 1.000000e+00 : f32
    %max3A_2 = vector.broadcast %max3A : f32 to vector<256x1xf32>
    %max3A_3 = arith.maximumf %slice3A, %max3A_2 : vector<256x1xf32>
    %div3A = arith.constant 1.000000e+00 : f32
    %div3A_4 = vector.broadcast %div3A : f32 to vector<256x1xf32>
    %div3A_5 = arith.divf %div3A_4, %max3A_3 : vector<256x1xf32>
    %slice3A_6 = vector.extract_strided_slice %get3A_1 {offsets = [0, 0], sizes = [256, 128], strides = [1, 1]} : vector<256x640xf32> to vector<256x128xf32>
    %mul3A = vector.broadcast %div3A_5 : vector<256x1xf32> to vector<256x128xf32>
    %mul3A_7 = arith.mulf %slice3A_6, %mul3A : vector<256x128xf32>
    %slice3A_8 = vector.extract_strided_slice %get3A_1 {offsets = [0, 128], sizes = [256, 128], strides = [1, 1]} : vector<256x640xf32> to vector<256x128xf32>
    %mul3A_9 = vector.broadcast %div3A_5 : vector<256x1xf32> to vector<256x128xf32>
    %mul3A_10 = arith.mulf %slice3A_8, %mul3A_9 : vector<256x128xf32>
    %slice3A_11 = vector.extract_strided_slice %get3A_1 {offsets = [0, 256], sizes = [256, 128], strides = [1, 1]} : vector<256x640xf32> to vector<256x128xf32>
    %mul3A_12 = vector.broadcast %div3A_5 : vector<256x1xf32> to vector<256x128xf32>
    %mul3A_13 = arith.mulf %slice3A_11, %mul3A_12 : vector<256x128xf32>
    %slice3A_14 = vector.extract_strided_slice %get3A_1 {offsets = [0, 384], sizes = [256, 128], strides = [1, 1]} : vector<256x640xf32> to vector<256x128xf32>
    %mul3A_15 = vector.broadcast %div3A_5 : vector<256x1xf32> to vector<256x128xf32>
    %mul3A_16 = arith.mulf %slice3A_14, %mul3A_15 : vector<256x128xf32>
    %get3A_17 = arith.constant 0 : index
    %get3A_18 = arith.constant 0 : index
    %get3A_19 = vector.load %arg2[%get3A_17, %get3A_18] : memref<256x384xf32, #tpu.memory_space<vmem>>, vector<256x128xf32>
    %get3A_20 = arith.constant 0 : index
    %get3A_21 = arith.constant 128 : index
    %get3A_22 = vector.load %arg2[%get3A_20, %get3A_21] : memref<256x384xf32, #tpu.memory_space<vmem>>, vector<256x128xf32>
    %get3A_23 = arith.constant 0 : index
    %get3A_24 = arith.constant 256 : index
    %get3A_25 = vector.load %arg2[%get3A_23, %get3A_24] : memref<256x384xf32, #tpu.memory_space<vmem>>, vector<256x128xf32>
    %get3A_26 = arith.constant 0 : index
    %get3A_27 = arith.constant 0 : index
    %get3A_28 = vector.load %arg3[%get3A_26, %get3A_27] : memref<256x1152xf32, #tpu.memory_space<vmem>>, vector<256x128xf32>
    %get3A_29 = arith.constant 0 : index
    %get3A_30 = arith.constant 128 : index
    %get3A_31 = vector.load %arg3[%get3A_29, %get3A_30] : memref<256x1152xf32, #tpu.memory_space<vmem>>, vector<256x128xf32>
    %get3A_32 = arith.constant 0 : index
    %get3A_33 = arith.constant 256 : index
    %get3A_34 = vector.load %arg3[%get3A_32, %get3A_33] : memref<256x1152xf32, #tpu.memory_space<vmem>>, vector<256x128xf32>
    %get3A_35 = arith.constant 0 : index
    %get3A_36 = arith.constant 384 : index
    %get3A_37 = vector.load %arg3[%get3A_35, %get3A_36] : memref<256x1152xf32, #tpu.memory_space<vmem>>, vector<256x128xf32>
    %get3A_38 = arith.constant 0 : index
    %get3A_39 = arith.constant 512 : index
    %get3A_40 = vector.load %arg3[%get3A_38, %get3A_39] : memref<256x1152xf32, #tpu.memory_space<vmem>>, vector<256x128xf32>
    %get3A_41 = arith.constant 0 : index
    %get3A_42 = arith.constant 640 : index
    %get3A_43 = vector.load %arg3[%get3A_41, %get3A_42] : memref<256x1152xf32, #tpu.memory_space<vmem>>, vector<256x128xf32>
    %get3A_44 = arith.constant 0 : index
    %get3A_45 = arith.constant 768 : index
    %get3A_46 = vector.load %arg3[%get3A_44, %get3A_45] : memref<256x1152xf32, #tpu.memory_space<vmem>>, vector<256x128xf32>
    %get3A_47 = arith.constant 0 : index
    %get3A_48 = arith.constant 896 : index
    %get3A_49 = vector.load %arg3[%get3A_47, %get3A_48] : memref<256x1152xf32, #tpu.memory_space<vmem>>, vector<256x128xf32>
    %get3A_50 = arith.constant 0 : index
    %get3A_51 = arith.constant 1024 : index
    %get3A_52 = vector.load %arg3[%get3A_50, %get3A_51] : memref<256x1152xf32, #tpu.memory_space<vmem>>, vector<256x128xf32>
    %get3A_53 = arith.constant 3 : index
    %get3A_54 = arith.constant 0 : index
    %get3A_55 = memref.load %arg17[%get3A_53, %get3A_54] : memref<9x3xf32, #tpu.memory_space<smem>>
    %get3A_56 = arith.constant 0 : index
    %get3A_57 = arith.constant 0 : index
    %get3A_58 = memref.load %arg17[%get3A_56, %get3A_57] : memref<9x3xf32, #tpu.memory_space<smem>>
    %mul3A_59 = vector.broadcast %get3A_58 : f32 to vector<256x128xf32>
    %mul3A_60 = arith.mulf %mul3A_59, %get3A_19 : vector<256x128xf32>
    %add3A = vector.broadcast %get3A_55 : f32 to vector<256x128xf32>
    %add3A_61 = arith.addf %add3A, %mul3A_60 : vector<256x128xf32>
    %get3A_62 = arith.constant 0 : index
    %get3A_63 = arith.constant 1 : index
    %get3A_64 = memref.load %arg17[%get3A_62, %get3A_63] : memref<9x3xf32, #tpu.memory_space<smem>>
    %mul3A_65 = vector.broadcast %get3A_64 : f32 to vector<256x128xf32>
    %mul3A_66 = arith.mulf %mul3A_65, %get3A_22 : vector<256x128xf32>
    %add3A_67 = arith.addf %add3A_61, %mul3A_66 : vector<256x128xf32>
    %get3A_68 = arith.constant 0 : index
    %get3A_69 = arith.constant 2 : index
    %get3A_70 = memref.load %arg17[%get3A_68, %get3A_69] : memref<9x3xf32, #tpu.memory_space<smem>>
    %mul3A_71 = vector.broadcast %get3A_70 : f32 to vector<256x128xf32>
    %mul3A_72 = arith.mulf %mul3A_71, %get3A_25 : vector<256x128xf32>
    %add3A_73 = arith.addf %add3A_67, %mul3A_72 : vector<256x128xf32>
    %get3A_74 = arith.constant 6 : index
    %get3A_75 = arith.constant 0 : index
    %get3A_76 = memref.load %arg17[%get3A_74, %get3A_75] : memref<9x3xf32, #tpu.memory_space<smem>>
    %mul3A_77 = vector.broadcast %get3A_76 : f32 to vector<256x128xf32>
    %mul3A_78 = arith.mulf %mul3A_77, %get3A_28 : vector<256x128xf32>
    %get3A_79 = arith.constant 6 : index
    %get3A_80 = arith.constant 1 : index
    %get3A_81 = memref.load %arg17[%get3A_79, %get3A_80] : memref<9x3xf32, #tpu.memory_space<smem>>
    %mul3A_82 = vector.broadcast %get3A_81 : f32 to vector<256x128xf32>
    %mul3A_83 = arith.mulf %mul3A_82, %get3A_37 : vector<256x128xf32>
    %add3A_84 = arith.addf %mul3A_78, %mul3A_83 : vector<256x128xf32>
    %get3A_85 = arith.constant 6 : index
    %get3A_86 = arith.constant 2 : index
    %get3A_87 = memref.load %arg17[%get3A_85, %get3A_86] : memref<9x3xf32, #tpu.memory_space<smem>>
    %mul3A_88 = vector.broadcast %get3A_87 : f32 to vector<256x128xf32>
    %mul3A_89 = arith.mulf %mul3A_88, %get3A_46 : vector<256x128xf32>
    %add3A_90 = arith.addf %add3A_84, %mul3A_89 : vector<256x128xf32>
    %get3A_91 = arith.constant 6 : index
    %get3A_92 = arith.constant 0 : index
    %get3A_93 = memref.load %arg17[%get3A_91, %get3A_92] : memref<9x3xf32, #tpu.memory_space<smem>>
    %mul3A_94 = vector.broadcast %get3A_93 : f32 to vector<256x128xf32>
    %mul3A_95 = arith.mulf %mul3A_94, %get3A_31 : vector<256x128xf32>
    %get3A_96 = arith.constant 6 : index
    %get3A_97 = arith.constant 1 : index
    %get3A_98 = memref.load %arg17[%get3A_96, %get3A_97] : memref<9x3xf32, #tpu.memory_space<smem>>
    %mul3A_99 = vector.broadcast %get3A_98 : f32 to vector<256x128xf32>
    %mul3A_100 = arith.mulf %mul3A_99, %get3A_40 : vector<256x128xf32>
    %add3A_101 = arith.addf %mul3A_95, %mul3A_100 : vector<256x128xf32>
    %get3A_102 = arith.constant 6 : index
    %get3A_103 = arith.constant 2 : index
    %get3A_104 = memref.load %arg17[%get3A_102, %get3A_103] : memref<9x3xf32, #tpu.memory_space<smem>>
    %mul3A_105 = vector.broadcast %get3A_104 : f32 to vector<256x128xf32>
    %mul3A_106 = arith.mulf %mul3A_105, %get3A_49 : vector<256x128xf32>
    %add3A_107 = arith.addf %add3A_101, %mul3A_106 : vector<256x128xf32>
    %get3A_108 = arith.constant 6 : index
    %get3A_109 = arith.constant 0 : index
    %get3A_110 = memref.load %arg17[%get3A_108, %get3A_109] : memref<9x3xf32, #tpu.memory_space<smem>>
    %mul3A_111 = vector.broadcast %get3A_110 : f32 to vector<256x128xf32>
    %mul3A_112 = arith.mulf %mul3A_111, %get3A_34 : vector<256x128xf32>
    %get3A_113 = arith.constant 6 : index
    %get3A_114 = arith.constant 1 : index
    %get3A_115 = memref.load %arg17[%get3A_113, %get3A_114] : memref<9x3xf32, #tpu.memory_space<smem>>
    %mul3A_116 = vector.broadcast %get3A_115 : f32 to vector<256x128xf32>
    %mul3A_117 = arith.mulf %mul3A_116, %get3A_43 : vector<256x128xf32>
    %add3A_118 = arith.addf %mul3A_112, %mul3A_117 : vector<256x128xf32>
    %get3A_119 = arith.constant 6 : index
    %get3A_120 = arith.constant 2 : index
    %get3A_121 = memref.load %arg17[%get3A_119, %get3A_120] : memref<9x3xf32, #tpu.memory_space<smem>>
    %mul3A_122 = vector.broadcast %get3A_121 : f32 to vector<256x128xf32>
    %mul3A_123 = arith.mulf %mul3A_122, %get3A_52 : vector<256x128xf32>
    %add3A_124 = arith.addf %add3A_118, %mul3A_123 : vector<256x128xf32>
    %get3A_125 = arith.constant 4 : index
    %get3A_126 = arith.constant 0 : index
    %get3A_127 = memref.load %arg17[%get3A_125, %get3A_126] : memref<9x3xf32, #tpu.memory_space<smem>>
    %get3A_128 = arith.constant 1 : index
    %get3A_129 = arith.constant 0 : index
    %get3A_130 = memref.load %arg17[%get3A_128, %get3A_129] : memref<9x3xf32, #tpu.memory_space<smem>>
    %mul3A_131 = vector.broadcast %get3A_130 : f32 to vector<256x128xf32>
    %mul3A_132 = arith.mulf %mul3A_131, %get3A_19 : vector<256x128xf32>
    %add3A_133 = vector.broadcast %get3A_127 : f32 to vector<256x128xf32>
    %add3A_134 = arith.addf %add3A_133, %mul3A_132 : vector<256x128xf32>
    %get3A_135 = arith.constant 1 : index
    %get3A_136 = arith.constant 1 : index
    %get3A_137 = memref.load %arg17[%get3A_135, %get3A_136] : memref<9x3xf32, #tpu.memory_space<smem>>
    %mul3A_138 = vector.broadcast %get3A_137 : f32 to vector<256x128xf32>
    %mul3A_139 = arith.mulf %mul3A_138, %get3A_22 : vector<256x128xf32>
    %add3A_140 = arith.addf %add3A_134, %mul3A_139 : vector<256x128xf32>
    %get3A_141 = arith.constant 1 : index
    %get3A_142 = arith.constant 2 : index
    %get3A_143 = memref.load %arg17[%get3A_141, %get3A_142] : memref<9x3xf32, #tpu.memory_space<smem>>
    %mul3A_144 = vector.broadcast %get3A_143 : f32 to vector<256x128xf32>
    %mul3A_145 = arith.mulf %mul3A_144, %get3A_25 : vector<256x128xf32>
    %add3A_146 = arith.addf %add3A_140, %mul3A_145 : vector<256x128xf32>
    %get3A_147 = arith.constant 7 : index
    %get3A_148 = arith.constant 0 : index
    %get3A_149 = memref.load %arg17[%get3A_147, %get3A_148] : memref<9x3xf32, #tpu.memory_space<smem>>
    %mul3A_150 = vector.broadcast %get3A_149 : f32 to vector<256x128xf32>
    %mul3A_151 = arith.mulf %mul3A_150, %get3A_28 : vector<256x128xf32>
    %get3A_152 = arith.constant 7 : index
    %get3A_153 = arith.constant 1 : index
    %get3A_154 = memref.load %arg17[%get3A_152, %get3A_153] : memref<9x3xf32, #tpu.memory_space<smem>>
    %mul3A_155 = vector.broadcast %get3A_154 : f32 to vector<256x128xf32>
    %mul3A_156 = arith.mulf %mul3A_155, %get3A_37 : vector<256x128xf32>
    %add3A_157 = arith.addf %mul3A_151, %mul3A_156 : vector<256x128xf32>
    %get3A_158 = arith.constant 7 : index
    %get3A_159 = arith.constant 2 : index
    %get3A_160 = memref.load %arg17[%get3A_158, %get3A_159] : memref<9x3xf32, #tpu.memory_space<smem>>
    %mul3A_161 = vector.broadcast %get3A_160 : f32 to vector<256x128xf32>
    %mul3A_162 = arith.mulf %mul3A_161, %get3A_46 : vector<256x128xf32>
    %add3A_163 = arith.addf %add3A_157, %mul3A_162 : vector<256x128xf32>
    %get3A_164 = arith.constant 7 : index
    %get3A_165 = arith.constant 0 : index
    %get3A_166 = memref.load %arg17[%get3A_164, %get3A_165] : memref<9x3xf32, #tpu.memory_space<smem>>
    %mul3A_167 = vector.broadcast %get3A_166 : f32 to vector<256x128xf32>
    %mul3A_168 = arith.mulf %mul3A_167, %get3A_31 : vector<256x128xf32>
    %get3A_169 = arith.constant 7 : index
    %get3A_170 = arith.constant 1 : index
    %get3A_171 = memref.load %arg17[%get3A_169, %get3A_170] : memref<9x3xf32, #tpu.memory_space<smem>>
    %mul3A_172 = vector.broadcast %get3A_171 : f32 to vector<256x128xf32>
    %mul3A_173 = arith.mulf %mul3A_172, %get3A_40 : vector<256x128xf32>
    %add3A_174 = arith.addf %mul3A_168, %mul3A_173 : vector<256x128xf32>
    %get3A_175 = arith.constant 7 : index
    %get3A_176 = arith.constant 2 : index
    %get3A_177 = memref.load %arg17[%get3A_175, %get3A_176] : memref<9x3xf32, #tpu.memory_space<smem>>
    %mul3A_178 = vector.broadcast %get3A_177 : f32 to vector<256x128xf32>
    %mul3A_179 = arith.mulf %mul3A_178, %get3A_49 : vector<256x128xf32>
    %add3A_180 = arith.addf %add3A_174, %mul3A_179 : vector<256x128xf32>
    %get3A_181 = arith.constant 7 : index
    %get3A_182 = arith.constant 0 : index
    %get3A_183 = memref.load %arg17[%get3A_181, %get3A_182] : memref<9x3xf32, #tpu.memory_space<smem>>
    %mul3A_184 = vector.broadcast %get3A_183 : f32 to vector<256x128xf32>
    %mul3A_185 = arith.mulf %mul3A_184, %get3A_34 : vector<256x128xf32>
    %get3A_186 = arith.constant 7 : index
    %get3A_187 = arith.constant 1 : index
    %get3A_188 = memref.load %arg17[%get3A_186, %get3A_187] : memref<9x3xf32, #tpu.memory_space<smem>>
    %mul3A_189 = vector.broadcast %get3A_188 : f32 to vector<256x128xf32>
    %mul3A_190 = arith.mulf %mul3A_189, %get3A_43 : vector<256x128xf32>
    %add3A_191 = arith.addf %mul3A_185, %mul3A_190 : vector<256x128xf32>
    %get3A_192 = arith.constant 7 : index
    %get3A_193 = arith.constant 2 : index
    %get3A_194 = memref.load %arg17[%get3A_192, %get3A_193] : memref<9x3xf32, #tpu.memory_space<smem>>
    %mul3A_195 = vector.broadcast %get3A_194 : f32 to vector<256x128xf32>
    %mul3A_196 = arith.mulf %mul3A_195, %get3A_52 : vector<256x128xf32>
    %add3A_197 = arith.addf %add3A_191, %mul3A_196 : vector<256x128xf32>
    %get3A_198 = arith.constant 5 : index
    %get3A_199 = arith.constant 0 : index
    %get3A_200 = memref.load %arg17[%get3A_198, %get3A_199] : memref<9x3xf32, #tpu.memory_space<smem>>
    %get3A_201 = arith.constant 2 : index
    %get3A_202 = arith.constant 0 : index
    %get3A_203 = memref.load %arg17[%get3A_201, %get3A_202] : memref<9x3xf32, #tpu.memory_space<smem>>
    %mul3A_204 = vector.broadcast %get3A_203 : f32 to vector<256x128xf32>
    %mul3A_205 = arith.mulf %mul3A_204, %get3A_19 : vector<256x128xf32>
    %add3A_206 = vector.broadcast %get3A_200 : f32 to vector<256x128xf32>
    %add3A_207 = arith.addf %add3A_206, %mul3A_205 : vector<256x128xf32>
    %get3A_208 = arith.constant 2 : index
    %get3A_209 = arith.constant 1 : index
    %get3A_210 = memref.load %arg17[%get3A_208, %get3A_209] : memref<9x3xf32, #tpu.memory_space<smem>>
    %mul3A_211 = vector.broadcast %get3A_210 : f32 to vector<256x128xf32>
    %mul3A_212 = arith.mulf %mul3A_211, %get3A_22 : vector<256x128xf32>
    %add3A_213 = arith.addf %add3A_207, %mul3A_212 : vector<256x128xf32>
    %get3A_214 = arith.constant 2 : index
    %get3A_215 = arith.constant 2 : index
    %get3A_216 = memref.load %arg17[%get3A_214, %get3A_215] : memref<9x3xf32, #tpu.memory_space<smem>>
    %mul3A_217 = vector.broadcast %get3A_216 : f32 to vector<256x128xf32>
    %mul3A_218 = arith.mulf %mul3A_217, %get3A_25 : vector<256x128xf32>
    %add3A_219 = arith.addf %add3A_213, %mul3A_218 : vector<256x128xf32>
    %get3A_220 = arith.constant 8 : index
    %get3A_221 = arith.constant 0 : index
    %get3A_222 = memref.load %arg17[%get3A_220, %get3A_221] : memref<9x3xf32, #tpu.memory_space<smem>>
    %mul3A_223 = vector.broadcast %get3A_222 : f32 to vector<256x128xf32>
    %mul3A_224 = arith.mulf %mul3A_223, %get3A_28 : vector<256x128xf32>
    %get3A_225 = arith.constant 8 : index
    %get3A_226 = arith.constant 1 : index
    %get3A_227 = memref.load %arg17[%get3A_225, %get3A_226] : memref<9x3xf32, #tpu.memory_space<smem>>
    %mul3A_228 = vector.broadcast %get3A_227 : f32 to vector<256x128xf32>
    %mul3A_229 = arith.mulf %mul3A_228, %get3A_37 : vector<256x128xf32>
    %add3A_230 = arith.addf %mul3A_224, %mul3A_229 : vector<256x128xf32>
    %get3A_231 = arith.constant 8 : index
    %get3A_232 = arith.constant 2 : index
    %get3A_233 = memref.load %arg17[%get3A_231, %get3A_232] : memref<9x3xf32, #tpu.memory_space<smem>>
    %mul3A_234 = vector.broadcast %get3A_233 : f32 to vector<256x128xf32>
    %mul3A_235 = arith.mulf %mul3A_234, %get3A_46 : vector<256x128xf32>
    %add3A_236 = arith.addf %add3A_230, %mul3A_235 : vector<256x128xf32>
    %get3A_237 = arith.constant 8 : index
    %get3A_238 = arith.constant 0 : index
    %get3A_239 = memref.load %arg17[%get3A_237, %get3A_238] : memref<9x3xf32, #tpu.memory_space<smem>>
    %mul3A_240 = vector.broadcast %get3A_239 : f32 to vector<256x128xf32>
    %mul3A_241 = arith.mulf %mul3A_240, %get3A_31 : vector<256x128xf32>
    %get3A_242 = arith.constant 8 : index
    %get3A_243 = arith.constant 1 : index
    %get3A_244 = memref.load %arg17[%get3A_242, %get3A_243] : memref<9x3xf32, #tpu.memory_space<smem>>
    %mul3A_245 = vector.broadcast %get3A_244 : f32 to vector<256x128xf32>
    %mul3A_246 = arith.mulf %mul3A_245, %get3A_40 : vector<256x128xf32>
    %add3A_247 = arith.addf %mul3A_241, %mul3A_246 : vector<256x128xf32>
    %get3A_248 = arith.constant 8 : index
    %get3A_249 = arith.constant 2 : index
    %get3A_250 = memref.load %arg17[%get3A_248, %get3A_249] : memref<9x3xf32, #tpu.memory_space<smem>>
    %mul3A_251 = vector.broadcast %get3A_250 : f32 to vector<256x128xf32>
    %mul3A_252 = arith.mulf %mul3A_251, %get3A_49 : vector<256x128xf32>
    %add3A_253 = arith.addf %add3A_247, %mul3A_252 : vector<256x128xf32>
    %get3A_254 = arith.constant 8 : index
    %get3A_255 = arith.constant 0 : index
    %get3A_256 = memref.load %arg17[%get3A_254, %get3A_255] : memref<9x3xf32, #tpu.memory_space<smem>>
    %mul3A_257 = vector.broadcast %get3A_256 : f32 to vector<256x128xf32>
    %mul3A_258 = arith.mulf %mul3A_257, %get3A_34 : vector<256x128xf32>
    %get3A_259 = arith.constant 8 : index
    %get3A_260 = arith.constant 1 : index
    %get3A_261 = memref.load %arg17[%get3A_259, %get3A_260] : memref<9x3xf32, #tpu.memory_space<smem>>
    %mul3A_262 = vector.broadcast %get3A_261 : f32 to vector<256x128xf32>
    %mul3A_263 = arith.mulf %mul3A_262, %get3A_43 : vector<256x128xf32>
    %add3A_264 = arith.addf %mul3A_258, %mul3A_263 : vector<256x128xf32>
    %get3A_265 = arith.constant 8 : index
    %get3A_266 = arith.constant 2 : index
    %get3A_267 = memref.load %arg17[%get3A_265, %get3A_266] : memref<9x3xf32, #tpu.memory_space<smem>>
    %mul3A_268 = vector.broadcast %get3A_267 : f32 to vector<256x128xf32>
    %mul3A_269 = arith.mulf %mul3A_268, %get3A_52 : vector<256x128xf32>
    %add3A_270 = arith.addf %add3A_264, %mul3A_269 : vector<256x128xf32>
    %get3A_271 = arith.constant 0 : index
    %get3A_272 = arith.constant 0 : index
    %get3A_273 = vector.load %arg4[%get3A_271, %get3A_272] : memref<384x128xf32, #tpu.memory_space<vmem>>, vector<128x128xf32>
    %get3A_274 = arith.constant 0 : index
    %get3A_275 = arith.constant 0 : index
    %get3A_276 = vector.load %arg5[%get3A_274, %get3A_275] : memref<384x128xf32, #tpu.memory_space<vmem>>, vector<128x128xf32>
    %get3A_277 = arith.constant 0 : index
    %get3A_278 = arith.constant 0 : index
    %get3A_279 = vector.load %arg7[%get3A_277, %get3A_278] : memref<384x128xf32, #tpu.memory_space<vmem>>, vector<128x128xf32>
    %get3A_280 = arith.constant 0 : index
    %get3A_281 = arith.constant 0 : index
    %get3A_282 = vector.load %arg9[%get3A_280, %get3A_281] : memref<384x128xf32, #tpu.memory_space<vmem>>, vector<128x128xf32>
    %dot_general3A = arith.constant dense<0.000000e+00> : vector<256x128xf32>
    %dot_general3A_283 = tpu.matmul %mul3A_7, %get3A_273, %dot_general3A {dimension_numbers = #tpu.dot_dimension_numbers<[1], [1], [0], [0], [0, 0, 1, 0], [], []>, transpose_lhs_hint = false} : vector<256x128xf32>, vector<128x128xf32>, vector<256x128xf32> -> vector<256x128xf32>
    %dot_general3A_284 = arith.constant dense<0.000000e+00> : vector<256x128xf32>
    %dot_general3A_285 = tpu.matmul %add3A_73, %get3A_276, %dot_general3A_284 {dimension_numbers = #tpu.dot_dimension_numbers<[1], [1], [0], [0], [0, 0, 1, 0], [], []>, transpose_lhs_hint = false} : vector<256x128xf32>, vector<128x128xf32>, vector<256x128xf32> -> vector<256x128xf32>
    %add3A_286 = arith.addf %dot_general3A_283, %dot_general3A_285 : vector<256x128xf32>
    %get3A_287 = arith.constant 0 : index
    %get3A_288 = arith.constant 0 : index
    %get3A_289 = vector.load %arg6[%get3A_287, %get3A_288] : memref<3x128xf32, #tpu.memory_space<vmem>>, vector<1x128xf32>
    %add3A_290 = vector.broadcast %get3A_289 : vector<1x128xf32> to vector<256x128xf32>
    %add3A_291 = arith.addf %add3A_286, %add3A_290 : vector<256x128xf32>
    %logistic3A = arith.negf %add3A_291 : vector<256x128xf32>
    %logistic3A_292 = math.exp %logistic3A : vector<256x128xf32>
    %logistic3A_293 = arith.constant 1.000000e+00 : f32
    %logistic3A_294 = vector.broadcast %logistic3A_293 : f32 to vector<256x128xf32>
    %logistic3A_295 = arith.addf %logistic3A_294, %logistic3A_292 : vector<256x128xf32>
    %logistic3A_296 = arith.divf %logistic3A_294, %logistic3A_295 : vector<256x128xf32>
    %mul3A_297 = arith.mulf %add3A_291, %logistic3A_296 : vector<256x128xf32>
    %mul3A_298 = arith.constant 1.66666663 : f32
    %mul3A_299 = vector.broadcast %mul3A_298 : f32 to vector<256x128xf32>
    %mul3A_300 = arith.mulf %mul3A_297, %mul3A_299 : vector<256x128xf32>
    %dot_general3A_301 = arith.constant dense<0.000000e+00> : vector<256x128xf32>
    %dot_general3A_302 = tpu.matmul %mul3A_300, %get3A_279, %dot_general3A_301 {dimension_numbers = #tpu.dot_dimension_numbers<[1], [1], [0], [0], [0, 0, 1, 0], [], []>, transpose_lhs_hint = false} : vector<256x128xf32>, vector<128x128xf32>, vector<256x128xf32> -> vector<256x128xf32>
    %get3A_303 = arith.constant 0 : index
    %get3A_304 = arith.constant 0 : index
    %get3A_305 = vector.load %arg8[%get3A_303, %get3A_304] : memref<3x128xf32, #tpu.memory_space<vmem>>, vector<1x128xf32>
    %add3A_306 = vector.broadcast %get3A_305 : vector<1x128xf32> to vector<256x128xf32>
    %add3A_307 = arith.addf %dot_general3A_302, %add3A_306 : vector<256x128xf32>
    %logistic3A_308 = arith.negf %add3A_307 : vector<256x128xf32>
    %logistic3A_309 = math.exp %logistic3A_308 : vector<256x128xf32>
    %logistic3A_310 = arith.constant 1.000000e+00 : f32
    %logistic3A_311 = vector.broadcast %logistic3A_310 : f32 to vector<256x128xf32>
    %logistic3A_312 = arith.addf %logistic3A_311, %logistic3A_309 : vector<256x128xf32>
    %logistic3A_313 = arith.divf %logistic3A_311, %logistic3A_312 : vector<256x128xf32>
    %mul3A_314 = arith.mulf %add3A_307, %logistic3A_313 : vector<256x128xf32>
    %mul3A_315 = arith.constant 1.66666663 : f32
    %mul3A_316 = vector.broadcast %mul3A_315 : f32 to vector<256x128xf32>
    %mul3A_317 = arith.mulf %mul3A_314, %mul3A_316 : vector<256x128xf32>
    %add3A_318 = arith.addf %add3A_73, %mul3A_317 : vector<256x128xf32>
    %add3A_319 = arith.addf %mul3A_10, %add3A_90 : vector<256x128xf32>
    %dot_general3A_320 = arith.constant dense<0.000000e+00> : vector<256x128xf32>
    %dot_general3A_321 = tpu.matmul %add3A_319, %get3A_282, %dot_general3A_320 {dimension_numbers = #tpu.dot_dimension_numbers<[1], [1], [0], [0], [0, 0, 1, 0], [], []>, transpose_lhs_hint = false} : vector<256x128xf32>, vector<128x128xf32>, vector<256x128xf32> -> vector<256x128xf32>
    %add3A_322 = arith.addf %add3A_90, %dot_general3A_321 : vector<256x128xf32>
    %add3A_323 = arith.addf %mul3A_13, %add3A_107 : vector<256x128xf32>
    %dot_general3A_324 = arith.constant dense<0.000000e+00> : vector<256x128xf32>
    %dot_general3A_325 = tpu.matmul %add3A_323, %get3A_282, %dot_general3A_324 {dimension_numbers = #tpu.dot_dimension_numbers<[1], [1], [0], [0], [0, 0, 1, 0], [], []>, transpose_lhs_hint = false} : vector<256x128xf32>, vector<128x128xf32>, vector<256x128xf32> -> vector<256x128xf32>
    %add3A_326 = arith.addf %add3A_107, %dot_general3A_325 : vector<256x128xf32>
    %add3A_327 = arith.addf %mul3A_16, %add3A_124 : vector<256x128xf32>
    %dot_general3A_328 = arith.constant dense<0.000000e+00> : vector<256x128xf32>
    %dot_general3A_329 = tpu.matmul %add3A_327, %get3A_282, %dot_general3A_328 {dimension_numbers = #tpu.dot_dimension_numbers<[1], [1], [0], [0], [0, 0, 1, 0], [], []>, transpose_lhs_hint = false} : vector<256x128xf32>, vector<128x128xf32>, vector<256x128xf32> -> vector<256x128xf32>
    %add3A_330 = arith.addf %add3A_124, %dot_general3A_329 : vector<256x128xf32>
    %get3A_331 = arith.constant 0 : index
    %get3A_332 = arith.constant 0 : index
    %get3A_333 = vector.load %arg10[%get3A_331, %get3A_332] : memref<768x128xf32, #tpu.memory_space<vmem>>, vector<256x128xf32>
    %dot_general3A_334 = arith.constant dense<0.000000e+00> : vector<256x256xf32>
    %dot_general3A_335 = tpu.matmul %add3A_322, %get3A_333, %dot_general3A_334 {dimension_numbers = #tpu.dot_dimension_numbers<[1], [1], [0], [0], [0, 0, 1, 0], [], []>, transpose_lhs_hint = false} : vector<256x128xf32>, vector<256x128xf32>, vector<256x256xf32> -> vector<256x256xf32>
    %dot_general3A_336 = arith.constant dense<0.000000e+00> : vector<256x256xf32>
    %dot_general3A_337 = tpu.matmul %add3A_326, %get3A_333, %dot_general3A_336 {dimension_numbers = #tpu.dot_dimension_numbers<[1], [1], [0], [0], [0, 0, 1, 0], [], []>, transpose_lhs_hint = false} : vector<256x128xf32>, vector<256x128xf32>, vector<256x256xf32> -> vector<256x256xf32>
    %dot_general3A_338 = arith.constant dense<0.000000e+00> : vector<256x256xf32>
    %dot_general3A_339 = tpu.matmul %add3A_330, %get3A_333, %dot_general3A_338 {dimension_numbers = #tpu.dot_dimension_numbers<[1], [1], [0], [0], [0, 0, 1, 0], [], []>, transpose_lhs_hint = false} : vector<256x128xf32>, vector<256x128xf32>, vector<256x256xf32> -> vector<256x256xf32>
    %slice3A_340 = vector.extract_strided_slice %dot_general3A_335 {offsets = [0, 0], sizes = [256, 128], strides = [1, 1]} : vector<256x256xf32> to vector<256x128xf32>
    %slice3A_341 = vector.extract_strided_slice %dot_general3A_337 {offsets = [0, 0], sizes = [256, 128], strides = [1, 1]} : vector<256x256xf32> to vector<256x128xf32>
    %slice3A_342 = vector.extract_strided_slice %dot_general3A_339 {offsets = [0, 0], sizes = [256, 128], strides = [1, 1]} : vector<256x256xf32> to vector<256x128xf32>
    %slice3A_343 = vector.extract_strided_slice %dot_general3A_335 {offsets = [0, 128], sizes = [256, 128], strides = [1, 1]} : vector<256x256xf32> to vector<256x128xf32>
    %slice3A_344 = vector.extract_strided_slice %dot_general3A_337 {offsets = [0, 128], sizes = [256, 128], strides = [1, 1]} : vector<256x256xf32> to vector<256x128xf32>
    %slice3A_345 = vector.extract_strided_slice %dot_general3A_339 {offsets = [0, 128], sizes = [256, 128], strides = [1, 1]} : vector<256x256xf32> to vector<256x128xf32>
    %mul3A_346 = arith.mulf %slice3A_343, %slice3A_343 : vector<256x128xf32>
    %mul3A_347 = arith.mulf %slice3A_344, %slice3A_344 : vector<256x128xf32>
    %add3A_348 = arith.addf %mul3A_346, %mul3A_347 : vector<256x128xf32>
    %mul3A_349 = arith.mulf %slice3A_345, %slice3A_345 : vector<256x128xf32>
    %add3A_350 = arith.addf %add3A_348, %mul3A_349 : vector<256x128xf32>
    %add3A_351 = arith.constant 9.99999993E-9 : f32
    %add3A_352 = vector.broadcast %add3A_351 : f32 to vector<256x128xf32>
    %add3A_353 = arith.addf %add3A_350, %add3A_352 : vector<256x128xf32>
    %sqrt3A = math.sqrt %add3A_353 : vector<256x128xf32>
    %get3A_354 = arith.constant 0 : index
    %get3A_355 = arith.constant 0 : index
    %get3A_356 = vector.load %arg11[%get3A_354, %get3A_355] : memref<384x128xf32, #tpu.memory_space<vmem>>, vector<128x128xf32>
    %get3A_357 = arith.constant 0 : index
    %get3A_358 = arith.constant 0 : index
    %get3A_359 = vector.load %arg12[%get3A_357, %get3A_358] : memref<384x128xf32, #tpu.memory_space<vmem>>, vector<128x128xf32>
    %get3A_360 = arith.constant 0 : index
    %get3A_361 = arith.constant 0 : index
    %get3A_362 = vector.load %arg14[%get3A_360, %get3A_361] : memref<1152x128xf32, #tpu.memory_space<vmem>>, vector<384x128xf32>
    %dot_general3A_363 = arith.constant dense<0.000000e+00> : vector<256x128xf32>
    %dot_general3A_364 = tpu.matmul %add3A_318, %get3A_356, %dot_general3A_363 {dimension_numbers = #tpu.dot_dimension_numbers<[1], [1], [0], [0], [0, 0, 1, 0], [], []>, transpose_lhs_hint = false} : vector<256x128xf32>, vector<128x128xf32>, vector<256x128xf32> -> vector<256x128xf32>
    %dot_general3A_365 = arith.constant dense<0.000000e+00> : vector<256x128xf32>
    %dot_general3A_366 = tpu.matmul %sqrt3A, %get3A_359, %dot_general3A_365 {dimension_numbers = #tpu.dot_dimension_numbers<[1], [1], [0], [0], [0, 0, 1, 0], [], []>, transpose_lhs_hint = false} : vector<256x128xf32>, vector<128x128xf32>, vector<256x128xf32> -> vector<256x128xf32>
    %add3A_367 = arith.addf %dot_general3A_364, %dot_general3A_366 : vector<256x128xf32>
    %get3A_368 = arith.constant 0 : index
    %get3A_369 = arith.constant 0 : index
    %get3A_370 = vector.load %arg13[%get3A_368, %get3A_369] : memref<3x128xf32, #tpu.memory_space<vmem>>, vector<1x128xf32>
    %add3A_371 = vector.broadcast %get3A_370 : vector<1x128xf32> to vector<256x128xf32>
    %add3A_372 = arith.addf %add3A_367, %add3A_371 : vector<256x128xf32>
    %logistic3A_373 = arith.negf %add3A_372 : vector<256x128xf32>
    %logistic3A_374 = math.exp %logistic3A_373 : vector<256x128xf32>
    %logistic3A_375 = arith.constant 1.000000e+00 : f32
    %logistic3A_376 = vector.broadcast %logistic3A_375 : f32 to vector<256x128xf32>
    %logistic3A_377 = arith.addf %logistic3A_376, %logistic3A_374 : vector<256x128xf32>
    %logistic3A_378 = arith.divf %logistic3A_376, %logistic3A_377 : vector<256x128xf32>
    %mul3A_379 = arith.mulf %add3A_372, %logistic3A_378 : vector<256x128xf32>
    %mul3A_380 = arith.constant 1.66666663 : f32
    %mul3A_381 = vector.broadcast %mul3A_380 : f32 to vector<256x128xf32>
    %mul3A_382 = arith.mulf %mul3A_379, %mul3A_381 : vector<256x128xf32>
    %dot_general3A_383 = arith.constant dense<0.000000e+00> : vector<256x384xf32>
    %dot_general3A_384 = tpu.matmul %mul3A_382, %get3A_362, %dot_general3A_383 {dimension_numbers = #tpu.dot_dimension_numbers<[1], [1], [0], [0], [0, 0, 1, 0], [], []>, transpose_lhs_hint = false} : vector<256x128xf32>, vector<384x128xf32>, vector<256x384xf32> -> vector<256x384xf32>
    %get3A_385 = arith.constant 0 : index
    %get3A_386 = arith.constant 0 : index
    %get3A_387 = vector.load %arg15[%get3A_385, %get3A_386] : memref<3x384xf32, #tpu.memory_space<vmem>>, vector<1x384xf32>
    %add3A_388 = vector.broadcast %get3A_387 : vector<1x384xf32> to vector<256x384xf32>
    %add3A_389 = arith.addf %dot_general3A_384, %add3A_388 : vector<256x384xf32>
    %slice3A_390 = vector.extract_strided_slice %add3A_389 {offsets = [0, 0], sizes = [256, 128], strides = [1, 1]} : vector<256x384xf32> to vector<256x128xf32>
    %mul3A_391 = arith.mulf %slice3A_390, %slice3A_340 : vector<256x128xf32>
    %add3A_392 = arith.addf %mul3A_391, %add3A_322 : vector<256x128xf32>
    %mul3A_393 = arith.mulf %slice3A_390, %slice3A_341 : vector<256x128xf32>
    %add3A_394 = arith.addf %mul3A_393, %add3A_326 : vector<256x128xf32>
    %mul3A_395 = arith.mulf %slice3A_390, %slice3A_342 : vector<256x128xf32>
    %add3A_396 = arith.addf %mul3A_395, %add3A_330 : vector<256x128xf32>
    %get3A_397 = arith.constant 128 : index
    %get3A_398 = arith.constant 0 : index
    %get3A_399 = vector.load %arg4[%get3A_397, %get3A_398] : memref<384x128xf32, #tpu.memory_space<vmem>>, vector<128x128xf32>
    %get3A_400 = arith.constant 128 : index
    %get3A_401 = arith.constant 0 : index
    %get3A_402 = vector.load %arg5[%get3A_400, %get3A_401] : memref<384x128xf32, #tpu.memory_space<vmem>>, vector<128x128xf32>
    %get3A_403 = arith.constant 128 : index
    %get3A_404 = arith.constant 0 : index
    %get3A_405 = vector.load %arg7[%get3A_403, %get3A_404] : memref<384x128xf32, #tpu.memory_space<vmem>>, vector<128x128xf32>
    %get3A_406 = arith.constant 128 : index
    %get3A_407 = arith.constant 0 : index
    %get3A_408 = vector.load %arg9[%get3A_406, %get3A_407] : memref<384x128xf32, #tpu.memory_space<vmem>>, vector<128x128xf32>
    %dot_general3A_409 = arith.constant dense<0.000000e+00> : vector<256x128xf32>
    %dot_general3A_410 = tpu.matmul %mul3A_7, %get3A_399, %dot_general3A_409 {dimension_numbers = #tpu.dot_dimension_numbers<[1], [1], [0], [0], [0, 0, 1, 0], [], []>, transpose_lhs_hint = false} : vector<256x128xf32>, vector<128x128xf32>, vector<256x128xf32> -> vector<256x128xf32>
    %dot_general3A_411 = arith.constant dense<0.000000e+00> : vector<256x128xf32>
    %dot_general3A_412 = tpu.matmul %add3A_146, %get3A_402, %dot_general3A_411 {dimension_numbers = #tpu.dot_dimension_numbers<[1], [1], [0], [0], [0, 0, 1, 0], [], []>, transpose_lhs_hint = false} : vector<256x128xf32>, vector<128x128xf32>, vector<256x128xf32> -> vector<256x128xf32>
    %add3A_413 = arith.addf %dot_general3A_410, %dot_general3A_412 : vector<256x128xf32>
    %get3A_414 = arith.constant 1 : index
    %get3A_415 = arith.constant 0 : index
    %get3A_416 = vector.load %arg6[%get3A_414, %get3A_415] : memref<3x128xf32, #tpu.memory_space<vmem>>, vector<1x128xf32>
    %add3A_417 = vector.broadcast %get3A_416 : vector<1x128xf32> to vector<256x128xf32>
    %add3A_418 = arith.addf %add3A_413, %add3A_417 : vector<256x128xf32>
    %logistic3A_419 = arith.negf %add3A_418 : vector<256x128xf32>
    %logistic3A_420 = math.exp %logistic3A_419 : vector<256x128xf32>
    %logistic3A_421 = arith.constant 1.000000e+00 : f32
    %logistic3A_422 = vector.broadcast %logistic3A_421 : f32 to vector<256x128xf32>
    %logistic3A_423 = arith.addf %logistic3A_422, %logistic3A_420 : vector<256x128xf32>
    %logistic3A_424 = arith.divf %logistic3A_422, %logistic3A_423 : vector<256x128xf32>
    %mul3A_425 = arith.mulf %add3A_418, %logistic3A_424 : vector<256x128xf32>
    %mul3A_426 = arith.constant 1.66666663 : f32
    %mul3A_427 = vector.broadcast %mul3A_426 : f32 to vector<256x128xf32>
    %mul3A_428 = arith.mulf %mul3A_425, %mul3A_427 : vector<256x128xf32>
    %dot_general3A_429 = arith.constant dense<0.000000e+00> : vector<256x128xf32>
    %dot_general3A_430 = tpu.matmul %mul3A_428, %get3A_405, %dot_general3A_429 {dimension_numbers = #tpu.dot_dimension_numbers<[1], [1], [0], [0], [0, 0, 1, 0], [], []>, transpose_lhs_hint = false} : vector<256x128xf32>, vector<128x128xf32>, vector<256x128xf32> -> vector<256x128xf32>
    %get3A_431 = arith.constant 1 : index
    %get3A_432 = arith.constant 0 : index
    %get3A_433 = vector.load %arg8[%get3A_431, %get3A_432] : memref<3x128xf32, #tpu.memory_space<vmem>>, vector<1x128xf32>
    %add3A_434 = vector.broadcast %get3A_433 : vector<1x128xf32> to vector<256x128xf32>
    %add3A_435 = arith.addf %dot_general3A_430, %add3A_434 : vector<256x128xf32>
    %logistic3A_436 = arith.negf %add3A_435 : vector<256x128xf32>
    %logistic3A_437 = math.exp %logistic3A_436 : vector<256x128xf32>
    %logistic3A_438 = arith.constant 1.000000e+00 : f32
    %logistic3A_439 = vector.broadcast %logistic3A_438 : f32 to vector<256x128xf32>
    %logistic3A_440 = arith.addf %logistic3A_439, %logistic3A_437 : vector<256x128xf32>
    %logistic3A_441 = arith.divf %logistic3A_439, %logistic3A_440 : vector<256x128xf32>
    %mul3A_442 = arith.mulf %add3A_435, %logistic3A_441 : vector<256x128xf32>
    %mul3A_443 = arith.constant 1.66666663 : f32
    %mul3A_444 = vector.broadcast %mul3A_443 : f32 to vector<256x128xf32>
    %mul3A_445 = arith.mulf %mul3A_442, %mul3A_444 : vector<256x128xf32>
    %add3A_446 = arith.addf %add3A_146, %mul3A_445 : vector<256x128xf32>
    %add3A_447 = arith.addf %mul3A_10, %add3A_163 : vector<256x128xf32>
    %dot_general3A_448 = arith.constant dense<0.000000e+00> : vector<256x128xf32>
    %dot_general3A_449 = tpu.matmul %add3A_447, %get3A_408, %dot_general3A_448 {dimension_numbers = #tpu.dot_dimension_numbers<[1], [1], [0], [0], [0, 0, 1, 0], [], []>, transpose_lhs_hint = false} : vector<256x128xf32>, vector<128x128xf32>, vector<256x128xf32> -> vector<256x128xf32>
    %add3A_450 = arith.addf %add3A_163, %dot_general3A_449 : vector<256x128xf32>
    %add3A_451 = arith.addf %mul3A_13, %add3A_180 : vector<256x128xf32>
    %dot_general3A_452 = arith.constant dense<0.000000e+00> : vector<256x128xf32>
    %dot_general3A_453 = tpu.matmul %add3A_451, %get3A_408, %dot_general3A_452 {dimension_numbers = #tpu.dot_dimension_numbers<[1], [1], [0], [0], [0, 0, 1, 0], [], []>, transpose_lhs_hint = false} : vector<256x128xf32>, vector<128x128xf32>, vector<256x128xf32> -> vector<256x128xf32>
    %add3A_454 = arith.addf %add3A_180, %dot_general3A_453 : vector<256x128xf32>
    %add3A_455 = arith.addf %mul3A_16, %add3A_197 : vector<256x128xf32>
    %dot_general3A_456 = arith.constant dense<0.000000e+00> : vector<256x128xf32>
    %dot_general3A_457 = tpu.matmul %add3A_455, %get3A_408, %dot_general3A_456 {dimension_numbers = #tpu.dot_dimension_numbers<[1], [1], [0], [0], [0, 0, 1, 0], [], []>, transpose_lhs_hint = false} : vector<256x128xf32>, vector<128x128xf32>, vector<256x128xf32> -> vector<256x128xf32>
    %add3A_458 = arith.addf %add3A_197, %dot_general3A_457 : vector<256x128xf32>
    %get3A_459 = arith.constant 256 : index
    %get3A_460 = arith.constant 0 : index
    %get3A_461 = vector.load %arg10[%get3A_459, %get3A_460] : memref<768x128xf32, #tpu.memory_space<vmem>>, vector<256x128xf32>
    %dot_general3A_462 = arith.constant dense<0.000000e+00> : vector<256x256xf32>
    %dot_general3A_463 = tpu.matmul %add3A_450, %get3A_461, %dot_general3A_462 {dimension_numbers = #tpu.dot_dimension_numbers<[1], [1], [0], [0], [0, 0, 1, 0], [], []>, transpose_lhs_hint = false} : vector<256x128xf32>, vector<256x128xf32>, vector<256x256xf32> -> vector<256x256xf32>
    %dot_general3A_464 = arith.constant dense<0.000000e+00> : vector<256x256xf32>
    %dot_general3A_465 = tpu.matmul %add3A_454, %get3A_461, %dot_general3A_464 {dimension_numbers = #tpu.dot_dimension_numbers<[1], [1], [0], [0], [0, 0, 1, 0], [], []>, transpose_lhs_hint = false} : vector<256x128xf32>, vector<256x128xf32>, vector<256x256xf32> -> vector<256x256xf32>
    %dot_general3A_466 = arith.constant dense<0.000000e+00> : vector<256x256xf32>
    %dot_general3A_467 = tpu.matmul %add3A_458, %get3A_461, %dot_general3A_466 {dimension_numbers = #tpu.dot_dimension_numbers<[1], [1], [0], [0], [0, 0, 1, 0], [], []>, transpose_lhs_hint = false} : vector<256x128xf32>, vector<256x128xf32>, vector<256x256xf32> -> vector<256x256xf32>
    %slice3A_468 = vector.extract_strided_slice %dot_general3A_463 {offsets = [0, 0], sizes = [256, 128], strides = [1, 1]} : vector<256x256xf32> to vector<256x128xf32>
    %slice3A_469 = vector.extract_strided_slice %dot_general3A_465 {offsets = [0, 0], sizes = [256, 128], strides = [1, 1]} : vector<256x256xf32> to vector<256x128xf32>
    %slice3A_470 = vector.extract_strided_slice %dot_general3A_467 {offsets = [0, 0], sizes = [256, 128], strides = [1, 1]} : vector<256x256xf32> to vector<256x128xf32>
    %slice3A_471 = vector.extract_strided_slice %dot_general3A_463 {offsets = [0, 128], sizes = [256, 128], strides = [1, 1]} : vector<256x256xf32> to vector<256x128xf32>
    %slice3A_472 = vector.extract_strided_slice %dot_general3A_465 {offsets = [0, 128], sizes = [256, 128], strides = [1, 1]} : vector<256x256xf32> to vector<256x128xf32>
    %slice3A_473 = vector.extract_strided_slice %dot_general3A_467 {offsets = [0, 128], sizes = [256, 128], strides = [1, 1]} : vector<256x256xf32> to vector<256x128xf32>
    %mul3A_474 = arith.mulf %slice3A_471, %slice3A_471 : vector<256x128xf32>
    %mul3A_475 = arith.mulf %slice3A_472, %slice3A_472 : vector<256x128xf32>
    %add3A_476 = arith.addf %mul3A_474, %mul3A_475 : vector<256x128xf32>
    %mul3A_477 = arith.mulf %slice3A_473, %slice3A_473 : vector<256x128xf32>
    %add3A_478 = arith.addf %add3A_476, %mul3A_477 : vector<256x128xf32>
    %add3A_479 = arith.constant 9.99999993E-9 : f32
    %add3A_480 = vector.broadcast %add3A_479 : f32 to vector<256x128xf32>
    %add3A_481 = arith.addf %add3A_478, %add3A_480 : vector<256x128xf32>
    %sqrt3A_482 = math.sqrt %add3A_481 : vector<256x128xf32>
    %get3A_483 = arith.constant 128 : index
    %get3A_484 = arith.constant 0 : index
    %get3A_485 = vector.load %arg11[%get3A_483, %get3A_484] : memref<384x128xf32, #tpu.memory_space<vmem>>, vector<128x128xf32>
    %get3A_486 = arith.constant 128 : index
    %get3A_487 = arith.constant 0 : index
    %get3A_488 = vector.load %arg12[%get3A_486, %get3A_487] : memref<384x128xf32, #tpu.memory_space<vmem>>, vector<128x128xf32>
    %get3A_489 = arith.constant 384 : index
    %get3A_490 = arith.constant 0 : index
    %get3A_491 = vector.load %arg14[%get3A_489, %get3A_490] : memref<1152x128xf32, #tpu.memory_space<vmem>>, vector<384x128xf32>
    %dot_general3A_492 = arith.constant dense<0.000000e+00> : vector<256x128xf32>
    %dot_general3A_493 = tpu.matmul %add3A_446, %get3A_485, %dot_general3A_492 {dimension_numbers = #tpu.dot_dimension_numbers<[1], [1], [0], [0], [0, 0, 1, 0], [], []>, transpose_lhs_hint = false} : vector<256x128xf32>, vector<128x128xf32>, vector<256x128xf32> -> vector<256x128xf32>
    %dot_general3A_494 = arith.constant dense<0.000000e+00> : vector<256x128xf32>
    %dot_general3A_495 = tpu.matmul %sqrt3A_482, %get3A_488, %dot_general3A_494 {dimension_numbers = #tpu.dot_dimension_numbers<[1], [1], [0], [0], [0, 0, 1, 0], [], []>, transpose_lhs_hint = false} : vector<256x128xf32>, vector<128x128xf32>, vector<256x128xf32> -> vector<256x128xf32>
    %add3A_496 = arith.addf %dot_general3A_493, %dot_general3A_495 : vector<256x128xf32>
    %get3A_497 = arith.constant 1 : index
    %get3A_498 = arith.constant 0 : index
    %get3A_499 = vector.load %arg13[%get3A_497, %get3A_498] : memref<3x128xf32, #tpu.memory_space<vmem>>, vector<1x128xf32>
    %add3A_500 = vector.broadcast %get3A_499 : vector<1x128xf32> to vector<256x128xf32>
    %add3A_501 = arith.addf %add3A_496, %add3A_500 : vector<256x128xf32>
    %logistic3A_502 = arith.negf %add3A_501 : vector<256x128xf32>
    %logistic3A_503 = math.exp %logistic3A_502 : vector<256x128xf32>
    %logistic3A_504 = arith.constant 1.000000e+00 : f32
    %logistic3A_505 = vector.broadcast %logistic3A_504 : f32 to vector<256x128xf32>
    %logistic3A_506 = arith.addf %logistic3A_505, %logistic3A_503 : vector<256x128xf32>
    %logistic3A_507 = arith.divf %logistic3A_505, %logistic3A_506 : vector<256x128xf32>
    %mul3A_508 = arith.mulf %add3A_501, %logistic3A_507 : vector<256x128xf32>
    %mul3A_509 = arith.constant 1.66666663 : f32
    %mul3A_510 = vector.broadcast %mul3A_509 : f32 to vector<256x128xf32>
    %mul3A_511 = arith.mulf %mul3A_508, %mul3A_510 : vector<256x128xf32>
    %dot_general3A_512 = arith.constant dense<0.000000e+00> : vector<256x384xf32>
    %dot_general3A_513 = tpu.matmul %mul3A_511, %get3A_491, %dot_general3A_512 {dimension_numbers = #tpu.dot_dimension_numbers<[1], [1], [0], [0], [0, 0, 1, 0], [], []>, transpose_lhs_hint = false} : vector<256x128xf32>, vector<384x128xf32>, vector<256x384xf32> -> vector<256x384xf32>
    %get3A_514 = arith.constant 1 : index
    %get3A_515 = arith.constant 0 : index
    %get3A_516 = vector.load %arg15[%get3A_514, %get3A_515] : memref<3x384xf32, #tpu.memory_space<vmem>>, vector<1x384xf32>
    %add3A_517 = vector.broadcast %get3A_516 : vector<1x384xf32> to vector<256x384xf32>
    %add3A_518 = arith.addf %dot_general3A_513, %add3A_517 : vector<256x384xf32>
    %slice3A_519 = vector.extract_strided_slice %add3A_518 {offsets = [0, 0], sizes = [256, 128], strides = [1, 1]} : vector<256x384xf32> to vector<256x128xf32>
    %mul3A_520 = arith.mulf %slice3A_519, %slice3A_468 : vector<256x128xf32>
    %add3A_521 = arith.addf %mul3A_520, %add3A_450 : vector<256x128xf32>
    %mul3A_522 = arith.mulf %slice3A_519, %slice3A_469 : vector<256x128xf32>
    %add3A_523 = arith.addf %mul3A_522, %add3A_454 : vector<256x128xf32>
    %mul3A_524 = arith.mulf %slice3A_519, %slice3A_470 : vector<256x128xf32>
    %add3A_525 = arith.addf %mul3A_524, %add3A_458 : vector<256x128xf32>
    %get3A_526 = arith.constant 256 : index
    %get3A_527 = arith.constant 0 : index
    %get3A_528 = vector.load %arg4[%get3A_526, %get3A_527] : memref<384x128xf32, #tpu.memory_space<vmem>>, vector<128x128xf32>
    %get3A_529 = arith.constant 256 : index
    %get3A_530 = arith.constant 0 : index
    %get3A_531 = vector.load %arg5[%get3A_529, %get3A_530] : memref<384x128xf32, #tpu.memory_space<vmem>>, vector<128x128xf32>
    %get3A_532 = arith.constant 256 : index
    %get3A_533 = arith.constant 0 : index
    %get3A_534 = vector.load %arg7[%get3A_532, %get3A_533] : memref<384x128xf32, #tpu.memory_space<vmem>>, vector<128x128xf32>
    %get3A_535 = arith.constant 256 : index
    %get3A_536 = arith.constant 0 : index
    %get3A_537 = vector.load %arg9[%get3A_535, %get3A_536] : memref<384x128xf32, #tpu.memory_space<vmem>>, vector<128x128xf32>
    %dot_general3A_538 = arith.constant dense<0.000000e+00> : vector<256x128xf32>
    %dot_general3A_539 = tpu.matmul %mul3A_7, %get3A_528, %dot_general3A_538 {dimension_numbers = #tpu.dot_dimension_numbers<[1], [1], [0], [0], [0, 0, 1, 0], [], []>, transpose_lhs_hint = false} : vector<256x128xf32>, vector<128x128xf32>, vector<256x128xf32> -> vector<256x128xf32>
    %dot_general3A_540 = arith.constant dense<0.000000e+00> : vector<256x128xf32>
    %dot_general3A_541 = tpu.matmul %add3A_219, %get3A_531, %dot_general3A_540 {dimension_numbers = #tpu.dot_dimension_numbers<[1], [1], [0], [0], [0, 0, 1, 0], [], []>, transpose_lhs_hint = false} : vector<256x128xf32>, vector<128x128xf32>, vector<256x128xf32> -> vector<256x128xf32>
    %add3A_542 = arith.addf %dot_general3A_539, %dot_general3A_541 : vector<256x128xf32>
    %get3A_543 = arith.constant 2 : index
    %get3A_544 = arith.constant 0 : index
    %get3A_545 = vector.load %arg6[%get3A_543, %get3A_544] : memref<3x128xf32, #tpu.memory_space<vmem>>, vector<1x128xf32>
    %add3A_546 = vector.broadcast %get3A_545 : vector<1x128xf32> to vector<256x128xf32>
    %add3A_547 = arith.addf %add3A_542, %add3A_546 : vector<256x128xf32>
    %logistic3A_548 = arith.negf %add3A_547 : vector<256x128xf32>
    %logistic3A_549 = math.exp %logistic3A_548 : vector<256x128xf32>
    %logistic3A_550 = arith.constant 1.000000e+00 : f32
    %logistic3A_551 = vector.broadcast %logistic3A_550 : f32 to vector<256x128xf32>
    %logistic3A_552 = arith.addf %logistic3A_551, %logistic3A_549 : vector<256x128xf32>
    %logistic3A_553 = arith.divf %logistic3A_551, %logistic3A_552 : vector<256x128xf32>
    %mul3A_554 = arith.mulf %add3A_547, %logistic3A_553 : vector<256x128xf32>
    %mul3A_555 = arith.constant 1.66666663 : f32
    %mul3A_556 = vector.broadcast %mul3A_555 : f32 to vector<256x128xf32>
    %mul3A_557 = arith.mulf %mul3A_554, %mul3A_556 : vector<256x128xf32>
    %dot_general3A_558 = arith.constant dense<0.000000e+00> : vector<256x128xf32>
    %dot_general3A_559 = tpu.matmul %mul3A_557, %get3A_534, %dot_general3A_558 {dimension_numbers = #tpu.dot_dimension_numbers<[1], [1], [0], [0], [0, 0, 1, 0], [], []>, transpose_lhs_hint = false} : vector<256x128xf32>, vector<128x128xf32>, vector<256x128xf32> -> vector<256x128xf32>
    %get3A_560 = arith.constant 2 : index
    %get3A_561 = arith.constant 0 : index
    %get3A_562 = vector.load %arg8[%get3A_560, %get3A_561] : memref<3x128xf32, #tpu.memory_space<vmem>>, vector<1x128xf32>
    %add3A_563 = vector.broadcast %get3A_562 : vector<1x128xf32> to vector<256x128xf32>
    %add3A_564 = arith.addf %dot_general3A_559, %add3A_563 : vector<256x128xf32>
    %logistic3A_565 = arith.negf %add3A_564 : vector<256x128xf32>
    %logistic3A_566 = math.exp %logistic3A_565 : vector<256x128xf32>
    %logistic3A_567 = arith.constant 1.000000e+00 : f32
    %logistic3A_568 = vector.broadcast %logistic3A_567 : f32 to vector<256x128xf32>
    %logistic3A_569 = arith.addf %logistic3A_568, %logistic3A_566 : vector<256x128xf32>
    %logistic3A_570 = arith.divf %logistic3A_568, %logistic3A_569 : vector<256x128xf32>
    %mul3A_571 = arith.mulf %add3A_564, %logistic3A_570 : vector<256x128xf32>
    %mul3A_572 = arith.constant 1.66666663 : f32
    %mul3A_573 = vector.broadcast %mul3A_572 : f32 to vector<256x128xf32>
    %mul3A_574 = arith.mulf %mul3A_571, %mul3A_573 : vector<256x128xf32>
    %add3A_575 = arith.addf %add3A_219, %mul3A_574 : vector<256x128xf32>
    %add3A_576 = arith.addf %mul3A_10, %add3A_236 : vector<256x128xf32>
    %dot_general3A_577 = arith.constant dense<0.000000e+00> : vector<256x128xf32>
    %dot_general3A_578 = tpu.matmul %add3A_576, %get3A_537, %dot_general3A_577 {dimension_numbers = #tpu.dot_dimension_numbers<[1], [1], [0], [0], [0, 0, 1, 0], [], []>, transpose_lhs_hint = false} : vector<256x128xf32>, vector<128x128xf32>, vector<256x128xf32> -> vector<256x128xf32>
    %add3A_579 = arith.addf %add3A_236, %dot_general3A_578 : vector<256x128xf32>
    %add3A_580 = arith.addf %mul3A_13, %add3A_253 : vector<256x128xf32>
    %dot_general3A_581 = arith.constant dense<0.000000e+00> : vector<256x128xf32>
    %dot_general3A_582 = tpu.matmul %add3A_580, %get3A_537, %dot_general3A_581 {dimension_numbers = #tpu.dot_dimension_numbers<[1], [1], [0], [0], [0, 0, 1, 0], [], []>, transpose_lhs_hint = false} : vector<256x128xf32>, vector<128x128xf32>, vector<256x128xf32> -> vector<256x128xf32>
    %add3A_583 = arith.addf %add3A_253, %dot_general3A_582 : vector<256x128xf32>
    %add3A_584 = arith.addf %mul3A_16, %add3A_270 : vector<256x128xf32>
    %dot_general3A_585 = arith.constant dense<0.000000e+00> : vector<256x128xf32>
    %dot_general3A_586 = tpu.matmul %add3A_584, %get3A_537, %dot_general3A_585 {dimension_numbers = #tpu.dot_dimension_numbers<[1], [1], [0], [0], [0, 0, 1, 0], [], []>, transpose_lhs_hint = false} : vector<256x128xf32>, vector<128x128xf32>, vector<256x128xf32> -> vector<256x128xf32>
    %add3A_587 = arith.addf %add3A_270, %dot_general3A_586 : vector<256x128xf32>
    %get3A_588 = arith.constant 512 : index
    %get3A_589 = arith.constant 0 : index
    %get3A_590 = vector.load %arg10[%get3A_588, %get3A_589] : memref<768x128xf32, #tpu.memory_space<vmem>>, vector<256x128xf32>
    %dot_general3A_591 = arith.constant dense<0.000000e+00> : vector<256x256xf32>
    %dot_general3A_592 = tpu.matmul %add3A_579, %get3A_590, %dot_general3A_591 {dimension_numbers = #tpu.dot_dimension_numbers<[1], [1], [0], [0], [0, 0, 1, 0], [], []>, transpose_lhs_hint = false} : vector<256x128xf32>, vector<256x128xf32>, vector<256x256xf32> -> vector<256x256xf32>
    %dot_general3A_593 = arith.constant dense<0.000000e+00> : vector<256x256xf32>
    %dot_general3A_594 = tpu.matmul %add3A_583, %get3A_590, %dot_general3A_593 {dimension_numbers = #tpu.dot_dimension_numbers<[1], [1], [0], [0], [0, 0, 1, 0], [], []>, transpose_lhs_hint = false} : vector<256x128xf32>, vector<256x128xf32>, vector<256x256xf32> -> vector<256x256xf32>
    %dot_general3A_595 = arith.constant dense<0.000000e+00> : vector<256x256xf32>
    %dot_general3A_596 = tpu.matmul %add3A_587, %get3A_590, %dot_general3A_595 {dimension_numbers = #tpu.dot_dimension_numbers<[1], [1], [0], [0], [0, 0, 1, 0], [], []>, transpose_lhs_hint = false} : vector<256x128xf32>, vector<256x128xf32>, vector<256x256xf32> -> vector<256x256xf32>
    %slice3A_597 = vector.extract_strided_slice %dot_general3A_592 {offsets = [0, 0], sizes = [256, 128], strides = [1, 1]} : vector<256x256xf32> to vector<256x128xf32>
    %slice3A_598 = vector.extract_strided_slice %dot_general3A_594 {offsets = [0, 0], sizes = [256, 128], strides = [1, 1]} : vector<256x256xf32> to vector<256x128xf32>
    %slice3A_599 = vector.extract_strided_slice %dot_general3A_596 {offsets = [0, 0], sizes = [256, 128], strides = [1, 1]} : vector<256x256xf32> to vector<256x128xf32>
    %slice3A_600 = vector.extract_strided_slice %dot_general3A_592 {offsets = [0, 128], sizes = [256, 128], strides = [1, 1]} : vector<256x256xf32> to vector<256x128xf32>
    %slice3A_601 = vector.extract_strided_slice %dot_general3A_594 {offsets = [0, 128], sizes = [256, 128], strides = [1, 1]} : vector<256x256xf32> to vector<256x128xf32>
    %slice3A_602 = vector.extract_strided_slice %dot_general3A_596 {offsets = [0, 128], sizes = [256, 128], strides = [1, 1]} : vector<256x256xf32> to vector<256x128xf32>
    %mul3A_603 = arith.mulf %slice3A_600, %slice3A_600 : vector<256x128xf32>
    %mul3A_604 = arith.mulf %slice3A_601, %slice3A_601 : vector<256x128xf32>
    %add3A_605 = arith.addf %mul3A_603, %mul3A_604 : vector<256x128xf32>
    %mul3A_606 = arith.mulf %slice3A_602, %slice3A_602 : vector<256x128xf32>
    %add3A_607 = arith.addf %add3A_605, %mul3A_606 : vector<256x128xf32>
    %add3A_608 = arith.constant 9.99999993E-9 : f32
    %add3A_609 = vector.broadcast %add3A_608 : f32 to vector<256x128xf32>
    %add3A_610 = arith.addf %add3A_607, %add3A_609 : vector<256x128xf32>
    %sqrt3A_611 = math.sqrt %add3A_610 : vector<256x128xf32>
    %get3A_612 = arith.constant 256 : index
    %get3A_613 = arith.constant 0 : index
    %get3A_614 = vector.load %arg11[%get3A_612, %get3A_613] : memref<384x128xf32, #tpu.memory_space<vmem>>, vector<128x128xf32>
    %get3A_615 = arith.constant 256 : index
    %get3A_616 = arith.constant 0 : index
    %get3A_617 = vector.load %arg12[%get3A_615, %get3A_616] : memref<384x128xf32, #tpu.memory_space<vmem>>, vector<128x128xf32>
    %get3A_618 = arith.constant 768 : index
    %get3A_619 = arith.constant 0 : index
    %get3A_620 = vector.load %arg14[%get3A_618, %get3A_619] : memref<1152x128xf32, #tpu.memory_space<vmem>>, vector<384x128xf32>
    %dot_general3A_621 = arith.constant dense<0.000000e+00> : vector<256x128xf32>
    %dot_general3A_622 = tpu.matmul %add3A_575, %get3A_614, %dot_general3A_621 {dimension_numbers = #tpu.dot_dimension_numbers<[1], [1], [0], [0], [0, 0, 1, 0], [], []>, transpose_lhs_hint = false} : vector<256x128xf32>, vector<128x128xf32>, vector<256x128xf32> -> vector<256x128xf32>
    %dot_general3A_623 = arith.constant dense<0.000000e+00> : vector<256x128xf32>
    %dot_general3A_624 = tpu.matmul %sqrt3A_611, %get3A_617, %dot_general3A_623 {dimension_numbers = #tpu.dot_dimension_numbers<[1], [1], [0], [0], [0, 0, 1, 0], [], []>, transpose_lhs_hint = false} : vector<256x128xf32>, vector<128x128xf32>, vector<256x128xf32> -> vector<256x128xf32>
    %add3A_625 = arith.addf %dot_general3A_622, %dot_general3A_624 : vector<256x128xf32>
    %get3A_626 = arith.constant 2 : index
    %get3A_627 = arith.constant 0 : index
    %get3A_628 = vector.load %arg13[%get3A_626, %get3A_627] : memref<3x128xf32, #tpu.memory_space<vmem>>, vector<1x128xf32>
    %add3A_629 = vector.broadcast %get3A_628 : vector<1x128xf32> to vector<256x128xf32>
    %add3A_630 = arith.addf %add3A_625, %add3A_629 : vector<256x128xf32>
    %logistic3A_631 = arith.negf %add3A_630 : vector<256x128xf32>
    %logistic3A_632 = math.exp %logistic3A_631 : vector<256x128xf32>
    %logistic3A_633 = arith.constant 1.000000e+00 : f32
    %logistic3A_634 = vector.broadcast %logistic3A_633 : f32 to vector<256x128xf32>
    %logistic3A_635 = arith.addf %logistic3A_634, %logistic3A_632 : vector<256x128xf32>
    %logistic3A_636 = arith.divf %logistic3A_634, %logistic3A_635 : vector<256x128xf32>
    %mul3A_637 = arith.mulf %add3A_630, %logistic3A_636 : vector<256x128xf32>
    %mul3A_638 = arith.constant 1.66666663 : f32
    %mul3A_639 = vector.broadcast %mul3A_638 : f32 to vector<256x128xf32>
    %mul3A_640 = arith.mulf %mul3A_637, %mul3A_639 : vector<256x128xf32>
    %dot_general3A_641 = arith.constant dense<0.000000e+00> : vector<256x384xf32>
    %dot_general3A_642 = tpu.matmul %mul3A_640, %get3A_620, %dot_general3A_641 {dimension_numbers = #tpu.dot_dimension_numbers<[1], [1], [0], [0], [0, 0, 1, 0], [], []>, transpose_lhs_hint = false} : vector<256x128xf32>, vector<384x128xf32>, vector<256x384xf32> -> vector<256x384xf32>
    %get3A_643 = arith.constant 2 : index
    %get3A_644 = arith.constant 0 : index
    %get3A_645 = vector.load %arg15[%get3A_643, %get3A_644] : memref<3x384xf32, #tpu.memory_space<vmem>>, vector<1x384xf32>
    %add3A_646 = vector.broadcast %get3A_645 : vector<1x384xf32> to vector<256x384xf32>
    %add3A_647 = arith.addf %dot_general3A_642, %add3A_646 : vector<256x384xf32>
    %slice3A_648 = vector.extract_strided_slice %add3A_647 {offsets = [0, 0], sizes = [256, 128], strides = [1, 1]} : vector<256x384xf32> to vector<256x128xf32>
    %mul3A_649 = arith.mulf %slice3A_648, %slice3A_597 : vector<256x128xf32>
    %add3A_650 = arith.addf %mul3A_649, %add3A_579 : vector<256x128xf32>
    %mul3A_651 = arith.mulf %slice3A_648, %slice3A_598 : vector<256x128xf32>
    %add3A_652 = arith.addf %mul3A_651, %add3A_583 : vector<256x128xf32>
    %mul3A_653 = arith.mulf %slice3A_648, %slice3A_599 : vector<256x128xf32>
    %add3A_654 = arith.addf %mul3A_653, %add3A_587 : vector<256x128xf32>
    %get3A_655 = arith.constant 0 : index
    %get3A_656 = arith.constant 0 : index
    %get3A_657 = vector.load %arg16[%get3A_655, %get3A_656] : memref<3x128xf32, #tpu.memory_space<vmem>>, vector<1x128xf32>
    %get3A_658 = arith.constant 6 : index
    %get3A_659 = arith.constant 0 : index
    %get3A_660 = memref.load %arg17[%get3A_658, %get3A_659] : memref<9x3xf32, #tpu.memory_space<smem>>
    %mul3A_661 = vector.broadcast %get3A_660 : f32 to vector<256x128xf32>
    %mul3A_662 = arith.mulf %mul3A_661, %add3A_392 : vector<256x128xf32>
    %get3A_663 = arith.constant 6 : index
    %get3A_664 = arith.constant 1 : index
    %get3A_665 = memref.load %arg17[%get3A_663, %get3A_664] : memref<9x3xf32, #tpu.memory_space<smem>>
    %mul3A_666 = vector.broadcast %get3A_665 : f32 to vector<256x128xf32>
    %mul3A_667 = arith.mulf %mul3A_666, %add3A_521 : vector<256x128xf32>
    %add3A_668 = arith.addf %mul3A_662, %mul3A_667 : vector<256x128xf32>
    %get3A_669 = arith.constant 6 : index
    %get3A_670 = arith.constant 2 : index
    %get3A_671 = memref.load %arg17[%get3A_669, %get3A_670] : memref<9x3xf32, #tpu.memory_space<smem>>
    %mul3A_672 = vector.broadcast %get3A_671 : f32 to vector<256x128xf32>
    %mul3A_673 = arith.mulf %mul3A_672, %add3A_650 : vector<256x128xf32>
    %add3A_674 = arith.addf %add3A_668, %mul3A_673 : vector<256x128xf32>
    %dot_general3A_675 = arith.constant dense<0.000000e+00> : vector<256x1xf32>
    %dot_general3A_676 = tpu.matmul %add3A_674, %get3A_657, %dot_general3A_675 {dimension_numbers = #tpu.dot_dimension_numbers<[1], [1], [0], [0], [0, 0, 1, 0], [], []>, transpose_lhs_hint = false} : vector<256x128xf32>, vector<1x128xf32>, vector<256x1xf32> -> vector<256x1xf32>
    %get3A_677 = arith.constant 6 : index
    %get3A_678 = arith.constant 0 : index
    %get3A_679 = memref.load %arg17[%get3A_677, %get3A_678] : memref<9x3xf32, #tpu.memory_space<smem>>
    %mul3A_680 = vector.broadcast %get3A_679 : f32 to vector<256x128xf32>
    %mul3A_681 = arith.mulf %mul3A_680, %add3A_394 : vector<256x128xf32>
    %get3A_682 = arith.constant 6 : index
    %get3A_683 = arith.constant 1 : index
    %get3A_684 = memref.load %arg17[%get3A_682, %get3A_683] : memref<9x3xf32, #tpu.memory_space<smem>>
    %mul3A_685 = vector.broadcast %get3A_684 : f32 to vector<256x128xf32>
    %mul3A_686 = arith.mulf %mul3A_685, %add3A_523 : vector<256x128xf32>
    %add3A_687 = arith.addf %mul3A_681, %mul3A_686 : vector<256x128xf32>
    %get3A_688 = arith.constant 6 : index
    %get3A_689 = arith.constant 2 : index
    %get3A_690 = memref.load %arg17[%get3A_688, %get3A_689] : memref<9x3xf32, #tpu.memory_space<smem>>
    %mul3A_691 = vector.broadcast %get3A_690 : f32 to vector<256x128xf32>
    %mul3A_692 = arith.mulf %mul3A_691, %add3A_652 : vector<256x128xf32>
    %add3A_693 = arith.addf %add3A_687, %mul3A_692 : vector<256x128xf32>
    %dot_general3A_694 = arith.constant dense<0.000000e+00> : vector<256x1xf32>
    %dot_general3A_695 = tpu.matmul %add3A_693, %get3A_657, %dot_general3A_694 {dimension_numbers = #tpu.dot_dimension_numbers<[1], [1], [0], [0], [0, 0, 1, 0], [], []>, transpose_lhs_hint = false} : vector<256x128xf32>, vector<1x128xf32>, vector<256x1xf32> -> vector<256x1xf32>
    %get3A_696 = arith.constant 6 : index
    %get3A_697 = arith.constant 0 : index
    %get3A_698 = memref.load %arg17[%get3A_696, %get3A_697] : memref<9x3xf32, #tpu.memory_space<smem>>
    %mul3A_699 = vector.broadcast %get3A_698 : f32 to vector<256x128xf32>
    %mul3A_700 = arith.mulf %mul3A_699, %add3A_396 : vector<256x128xf32>
    %get3A_701 = arith.constant 6 : index
    %get3A_702 = arith.constant 1 : index
    %get3A_703 = memref.load %arg17[%get3A_701, %get3A_702] : memref<9x3xf32, #tpu.memory_space<smem>>
    %mul3A_704 = vector.broadcast %get3A_703 : f32 to vector<256x128xf32>
    %mul3A_705 = arith.mulf %mul3A_704, %add3A_525 : vector<256x128xf32>
    %add3A_706 = arith.addf %mul3A_700, %mul3A_705 : vector<256x128xf32>
    %get3A_707 = arith.constant 6 : index
    %get3A_708 = arith.constant 2 : index
    %get3A_709 = memref.load %arg17[%get3A_707, %get3A_708] : memref<9x3xf32, #tpu.memory_space<smem>>
    %mul3A_710 = vector.broadcast %get3A_709 : f32 to vector<256x128xf32>
    %mul3A_711 = arith.mulf %mul3A_710, %add3A_654 : vector<256x128xf32>
    %add3A_712 = arith.addf %add3A_706, %mul3A_711 : vector<256x128xf32>
    %dot_general3A_713 = arith.constant dense<0.000000e+00> : vector<256x1xf32>
    %dot_general3A_714 = tpu.matmul %add3A_712, %get3A_657, %dot_general3A_713 {dimension_numbers = #tpu.dot_dimension_numbers<[1], [1], [0], [0], [0, 0, 1, 0], [], []>, transpose_lhs_hint = false} : vector<256x128xf32>, vector<1x128xf32>, vector<256x1xf32> -> vector<256x1xf32>
    %get3A_715 = arith.constant 1 : index
    %get3A_716 = arith.constant 0 : index
    %get3A_717 = vector.load %arg16[%get3A_715, %get3A_716] : memref<3x128xf32, #tpu.memory_space<vmem>>, vector<1x128xf32>
    %get3A_718 = arith.constant 7 : index
    %get3A_719 = arith.constant 0 : index
    %get3A_720 = memref.load %arg17[%get3A_718, %get3A_719] : memref<9x3xf32, #tpu.memory_space<smem>>
    %mul3A_721 = vector.broadcast %get3A_720 : f32 to vector<256x128xf32>
    %mul3A_722 = arith.mulf %mul3A_721, %add3A_392 : vector<256x128xf32>
    %get3A_723 = arith.constant 7 : index
    %get3A_724 = arith.constant 1 : index
    %get3A_725 = memref.load %arg17[%get3A_723, %get3A_724] : memref<9x3xf32, #tpu.memory_space<smem>>
    %mul3A_726 = vector.broadcast %get3A_725 : f32 to vector<256x128xf32>
    %mul3A_727 = arith.mulf %mul3A_726, %add3A_521 : vector<256x128xf32>
    %add3A_728 = arith.addf %mul3A_722, %mul3A_727 : vector<256x128xf32>
    %get3A_729 = arith.constant 7 : index
    %get3A_730 = arith.constant 2 : index
    %get3A_731 = memref.load %arg17[%get3A_729, %get3A_730] : memref<9x3xf32, #tpu.memory_space<smem>>
    %mul3A_732 = vector.broadcast %get3A_731 : f32 to vector<256x128xf32>
    %mul3A_733 = arith.mulf %mul3A_732, %add3A_650 : vector<256x128xf32>
    %add3A_734 = arith.addf %add3A_728, %mul3A_733 : vector<256x128xf32>
    %dot_general3A_735 = arith.constant dense<0.000000e+00> : vector<256x1xf32>
    %dot_general3A_736 = tpu.matmul %add3A_734, %get3A_717, %dot_general3A_735 {dimension_numbers = #tpu.dot_dimension_numbers<[1], [1], [0], [0], [0, 0, 1, 0], [], []>, transpose_lhs_hint = false} : vector<256x128xf32>, vector<1x128xf32>, vector<256x1xf32> -> vector<256x1xf32>
    %get3A_737 = arith.constant 7 : index
    %get3A_738 = arith.constant 0 : index
    %get3A_739 = memref.load %arg17[%get3A_737, %get3A_738] : memref<9x3xf32, #tpu.memory_space<smem>>
    %mul3A_740 = vector.broadcast %get3A_739 : f32 to vector<256x128xf32>
    %mul3A_741 = arith.mulf %mul3A_740, %add3A_394 : vector<256x128xf32>
    %get3A_742 = arith.constant 7 : index
    %get3A_743 = arith.constant 1 : index
    %get3A_744 = memref.load %arg17[%get3A_742, %get3A_743] : memref<9x3xf32, #tpu.memory_space<smem>>
    %mul3A_745 = vector.broadcast %get3A_744 : f32 to vector<256x128xf32>
    %mul3A_746 = arith.mulf %mul3A_745, %add3A_523 : vector<256x128xf32>
    %add3A_747 = arith.addf %mul3A_741, %mul3A_746 : vector<256x128xf32>
    %get3A_748 = arith.constant 7 : index
    %get3A_749 = arith.constant 2 : index
    %get3A_750 = memref.load %arg17[%get3A_748, %get3A_749] : memref<9x3xf32, #tpu.memory_space<smem>>
    %mul3A_751 = vector.broadcast %get3A_750 : f32 to vector<256x128xf32>
    %mul3A_752 = arith.mulf %mul3A_751, %add3A_652 : vector<256x128xf32>
    %add3A_753 = arith.addf %add3A_747, %mul3A_752 : vector<256x128xf32>
    %dot_general3A_754 = arith.constant dense<0.000000e+00> : vector<256x1xf32>
    %dot_general3A_755 = tpu.matmul %add3A_753, %get3A_717, %dot_general3A_754 {dimension_numbers = #tpu.dot_dimension_numbers<[1], [1], [0], [0], [0, 0, 1, 0], [], []>, transpose_lhs_hint = false} : vector<256x128xf32>, vector<1x128xf32>, vector<256x1xf32> -> vector<256x1xf32>
    %get3A_756 = arith.constant 7 : index
    %get3A_757 = arith.constant 0 : index
    %get3A_758 = memref.load %arg17[%get3A_756, %get3A_757] : memref<9x3xf32, #tpu.memory_space<smem>>
    %mul3A_759 = vector.broadcast %get3A_758 : f32 to vector<256x128xf32>
    %mul3A_760 = arith.mulf %mul3A_759, %add3A_396 : vector<256x128xf32>
    %get3A_761 = arith.constant 7 : index
    %get3A_762 = arith.constant 1 : index
    %get3A_763 = memref.load %arg17[%get3A_761, %get3A_762] : memref<9x3xf32, #tpu.memory_space<smem>>
    %mul3A_764 = vector.broadcast %get3A_763 : f32 to vector<256x128xf32>
    %mul3A_765 = arith.mulf %mul3A_764, %add3A_525 : vector<256x128xf32>
    %add3A_766 = arith.addf %mul3A_760, %mul3A_765 : vector<256x128xf32>
    %get3A_767 = arith.constant 7 : index
    %get3A_768 = arith.constant 2 : index
    %get3A_769 = memref.load %arg17[%get3A_767, %get3A_768] : memref<9x3xf32, #tpu.memory_space<smem>>
    %mul3A_770 = vector.broadcast %get3A_769 : f32 to vector<256x128xf32>
    %mul3A_771 = arith.mulf %mul3A_770, %add3A_654 : vector<256x128xf32>
    %add3A_772 = arith.addf %add3A_766, %mul3A_771 : vector<256x128xf32>
    %dot_general3A_773 = arith.constant dense<0.000000e+00> : vector<256x1xf32>
    %dot_general3A_774 = tpu.matmul %add3A_772, %get3A_717, %dot_general3A_773 {dimension_numbers = #tpu.dot_dimension_numbers<[1], [1], [0], [0], [0, 0, 1, 0], [], []>, transpose_lhs_hint = false} : vector<256x128xf32>, vector<1x128xf32>, vector<256x1xf32> -> vector<256x1xf32>
    %get3A_775 = arith.constant 2 : index
    %get3A_776 = arith.constant 0 : index
    %get3A_777 = vector.load %arg16[%get3A_775, %get3A_776] : memref<3x128xf32, #tpu.memory_space<vmem>>, vector<1x128xf32>
    %get3A_778 = arith.constant 8 : index
    %get3A_779 = arith.constant 0 : index
    %get3A_780 = memref.load %arg17[%get3A_778, %get3A_779] : memref<9x3xf32, #tpu.memory_space<smem>>
    %mul3A_781 = vector.broadcast %get3A_780 : f32 to vector<256x128xf32>
    %mul3A_782 = arith.mulf %mul3A_781, %add3A_392 : vector<256x128xf32>
    %get3A_783 = arith.constant 8 : index
    %get3A_784 = arith.constant 1 : index
    %get3A_785 = memref.load %arg17[%get3A_783, %get3A_784] : memref<9x3xf32, #tpu.memory_space<smem>>
    %mul3A_786 = vector.broadcast %get3A_785 : f32 to vector<256x128xf32>
    %mul3A_787 = arith.mulf %mul3A_786, %add3A_521 : vector<256x128xf32>
    %add3A_788 = arith.addf %mul3A_782, %mul3A_787 : vector<256x128xf32>
    %get3A_789 = arith.constant 8 : index
    %get3A_790 = arith.constant 2 : index
    %get3A_791 = memref.load %arg17[%get3A_789, %get3A_790] : memref<9x3xf32, #tpu.memory_space<smem>>
    %mul3A_792 = vector.broadcast %get3A_791 : f32 to vector<256x128xf32>
    %mul3A_793 = arith.mulf %mul3A_792, %add3A_650 : vector<256x128xf32>
    %add3A_794 = arith.addf %add3A_788, %mul3A_793 : vector<256x128xf32>
    %dot_general3A_795 = arith.constant dense<0.000000e+00> : vector<256x1xf32>
    %dot_general3A_796 = tpu.matmul %add3A_794, %get3A_777, %dot_general3A_795 {dimension_numbers = #tpu.dot_dimension_numbers<[1], [1], [0], [0], [0, 0, 1, 0], [], []>, transpose_lhs_hint = false} : vector<256x128xf32>, vector<1x128xf32>, vector<256x1xf32> -> vector<256x1xf32>
    %get3A_797 = arith.constant 8 : index
    %get3A_798 = arith.constant 0 : index
    %get3A_799 = memref.load %arg17[%get3A_797, %get3A_798] : memref<9x3xf32, #tpu.memory_space<smem>>
    %mul3A_800 = vector.broadcast %get3A_799 : f32 to vector<256x128xf32>
    %mul3A_801 = arith.mulf %mul3A_800, %add3A_394 : vector<256x128xf32>
    %get3A_802 = arith.constant 8 : index
    %get3A_803 = arith.constant 1 : index
    %get3A_804 = memref.load %arg17[%get3A_802, %get3A_803] : memref<9x3xf32, #tpu.memory_space<smem>>
    %mul3A_805 = vector.broadcast %get3A_804 : f32 to vector<256x128xf32>
    %mul3A_806 = arith.mulf %mul3A_805, %add3A_523 : vector<256x128xf32>
    %add3A_807 = arith.addf %mul3A_801, %mul3A_806 : vector<256x128xf32>
    %get3A_808 = arith.constant 8 : index
    %get3A_809 = arith.constant 2 : index
    %get3A_810 = memref.load %arg17[%get3A_808, %get3A_809] : memref<9x3xf32, #tpu.memory_space<smem>>
    %mul3A_811 = vector.broadcast %get3A_810 : f32 to vector<256x128xf32>
    %mul3A_812 = arith.mulf %mul3A_811, %add3A_652 : vector<256x128xf32>
    %add3A_813 = arith.addf %add3A_807, %mul3A_812 : vector<256x128xf32>
    %dot_general3A_814 = arith.constant dense<0.000000e+00> : vector<256x1xf32>
    %dot_general3A_815 = tpu.matmul %add3A_813, %get3A_777, %dot_general3A_814 {dimension_numbers = #tpu.dot_dimension_numbers<[1], [1], [0], [0], [0, 0, 1, 0], [], []>, transpose_lhs_hint = false} : vector<256x128xf32>, vector<1x128xf32>, vector<256x1xf32> -> vector<256x1xf32>
    %get3A_816 = arith.constant 8 : index
    %get3A_817 = arith.constant 0 : index
    %get3A_818 = memref.load %arg17[%get3A_816, %get3A_817] : memref<9x3xf32, #tpu.memory_space<smem>>
    %mul3A_819 = vector.broadcast %get3A_818 : f32 to vector<256x128xf32>
    %mul3A_820 = arith.mulf %mul3A_819, %add3A_396 : vector<256x128xf32>
    %get3A_821 = arith.constant 8 : index
    %get3A_822 = arith.constant 1 : index
    %get3A_823 = memref.load %arg17[%get3A_821, %get3A_822] : memref<9x3xf32, #tpu.memory_space<smem>>
    %mul3A_824 = vector.broadcast %get3A_823 : f32 to vector<256x128xf32>
    %mul3A_825 = arith.mulf %mul3A_824, %add3A_525 : vector<256x128xf32>
    %add3A_826 = arith.addf %mul3A_820, %mul3A_825 : vector<256x128xf32>
    %get3A_827 = arith.constant 8 : index
    %get3A_828 = arith.constant 2 : index
    %get3A_829 = memref.load %arg17[%get3A_827, %get3A_828] : memref<9x3xf32, #tpu.memory_space<smem>>
    %mul3A_830 = vector.broadcast %get3A_829 : f32 to vector<256x128xf32>
    %mul3A_831 = arith.mulf %mul3A_830, %add3A_654 : vector<256x128xf32>
    %add3A_832 = arith.addf %add3A_826, %mul3A_831 : vector<256x128xf32>
    %dot_general3A_833 = arith.constant dense<0.000000e+00> : vector<256x1xf32>
    %dot_general3A_834 = tpu.matmul %add3A_832, %get3A_777, %dot_general3A_833 {dimension_numbers = #tpu.dot_dimension_numbers<[1], [1], [0], [0], [0, 0, 1, 0], [], []>, transpose_lhs_hint = false} : vector<256x128xf32>, vector<1x128xf32>, vector<256x1xf32> -> vector<256x1xf32>
    %concatenate3A = tpu.concatenate %dot_general3A_676, %dot_general3A_736, %dot_general3A_796, %dot_general3A_695, %dot_general3A_755, %dot_general3A_815, %dot_general3A_714, %dot_general3A_774, %dot_general3A_834 in 1 : vector<256x1xf32>, vector<256x1xf32>, vector<256x1xf32>, vector<256x1xf32>, vector<256x1xf32>, vector<256x1xf32>, vector<256x1xf32>, vector<256x1xf32>, vector<256x1xf32> -> vector<256x9xf32>
    %swap3A = arith.constant 0 : index
    %swap3A_835 = arith.constant 0 : index
    %swap3A_836 = vector.load %arg18[%swap3A, %swap3A_835] : memref<256x9xf32, #tpu.memory_space<vmem>>, vector<256x9xf32>
    tpu.vector_store %arg18[%swap3A, %swap3A_835], %concatenate3A {strides = array<i32>} : memref<256x9xf32, #tpu.memory_space<vmem>>, vector<256x9xf32>,
    return
  }
  func.func @transform_0(%arg0: i32) -> (i32, i32) {
    %c0_i32 = arith.constant 0 : i32
    %c0_i32_0 = arith.constant 0 : i32
    return %arg0, %c0_i32 : i32, i32
  }
  func.func @transform_1(%arg0: i32) -> (i32, i32) {
    %c0_i32 = arith.constant 0 : i32
    %c0_i32_0 = arith.constant 0 : i32
    return %arg0, %c0_i32 : i32, i32
  }
  func.func @transform_2(%arg0: i32) -> (i32, i32) {
    %c0_i32 = arith.constant 0 : i32
    %c0_i32_0 = arith.constant 0 : i32
    return %arg0, %c0_i32 : i32, i32
  }
  func.func @transform_3(%arg0: i32) -> (i32, i32) {
    %c0_i32 = arith.constant 0 : i32
    %c0_i32_0 = arith.constant 0 : i32
    %c0_i32_1 = arith.constant 0 : i32
    return %c0_i32, %c0_i32_0 : i32, i32
  }
  func.func @transform_4(%arg0: i32) -> (i32, i32) {
    %c0_i32 = arith.constant 0 : i32
    %c0_i32_0 = arith.constant 0 : i32
    %c0_i32_1 = arith.constant 0 : i32
    return %c0_i32, %c0_i32_0 : i32, i32
  }
  func.func @transform_5(%arg0: i32) -> (i32, i32) {
    %c0_i32 = arith.constant 0 : i32
    %c0_i32_0 = arith.constant 0 : i32
    %c0_i32_1 = arith.constant 0 : i32
    return %c0_i32, %c0_i32_0 : i32, i32
  }
  func.func @transform_6(%arg0: i32) -> (i32, i32) {
    %c0_i32 = arith.constant 0 : i32
    %c0_i32_0 = arith.constant 0 : i32
    %c0_i32_1 = arith.constant 0 : i32
    return %c0_i32, %c0_i32_0 : i32, i32
  }
  func.func @transform_7(%arg0: i32) -> (i32, i32) {
    %c0_i32 = arith.constant 0 : i32
    %c0_i32_0 = arith.constant 0 : i32
    %c0_i32_1 = arith.constant 0 : i32
    return %c0_i32, %c0_i32_0 : i32, i32
  }
  func.func @transform_8(%arg0: i32) -> (i32, i32) {
    %c0_i32 = arith.constant 0 : i32
    %c0_i32_0 = arith.constant 0 : i32
    %c0_i32_1 = arith.constant 0 : i32
    return %c0_i32, %c0_i32_0 : i32, i32
  }
  func.func @transform_9(%arg0: i32) -> (i32, i32) {
    %c0_i32 = arith.constant 0 : i32
    %c0_i32_0 = arith.constant 0 : i32
    %c0_i32_1 = arith.constant 0 : i32
    return %c0_i32, %c0_i32_0 : i32, i32
  }
  func.func @transform_10(%arg0: i32) -> (i32, i32) {
    %c0_i32 = arith.constant 0 : i32
    %c0_i32_0 = arith.constant 0 : i32
    %c0_i32_1 = arith.constant 0 : i32
    return %c0_i32, %c0_i32_0 : i32, i32
  }
  func.func @transform_11(%arg0: i32) -> (i32, i32) {
    %c0_i32 = arith.constant 0 : i32
    %c0_i32_0 = arith.constant 0 : i32
    %c0_i32_1 = arith.constant 0 : i32
    return %c0_i32, %c0_i32_0 : i32, i32
  }
  func.func @transform_12(%arg0: i32) -> (i32, i32) {
    %c0_i32 = arith.constant 0 : i32
    %c0_i32_0 = arith.constant 0 : i32
    %c0_i32_1 = arith.constant 0 : i32
    return %c0_i32, %c0_i32_0 : i32, i32
  }
  func.func @transform_13(%arg0: i32) -> (i32, i32) {
    %c0_i32 = arith.constant 0 : i32
    %c0_i32_0 = arith.constant 0 : i32
    %c0_i32_1 = arith.constant 0 : i32
    return %c0_i32, %c0_i32_0 : i32, i32
  }
  func.func @transform_14(%arg0: i32) -> (i32, i32) {
    %c0_i32 = arith.constant 0 : i32
    %c0_i32_0 = arith.constant 0 : i32
    %c0_i32_1 = arith.constant 0 : i32
    return %c0_i32, %c0_i32_0 : i32, i32
  }
  func.func @transform_15(%arg0: i32) -> (i32, i32) {
    %c0_i32 = arith.constant 0 : i32
    %c0_i32_0 = arith.constant 0 : i32
    %c0_i32_1 = arith.constant 0 : i32
    return %c0_i32, %c0_i32_0 : i32, i32
  }
  func.func @transform_16(%arg0: i32) -> (i32, i32) {
    %c0_i32 = arith.constant 0 : i32
    %c0_i32_0 = arith.constant 0 : i32
    %c0_i32_1 = arith.constant 0 : i32
    return %c0_i32, %c0_i32_0 : i32, i32
  }
  func.func @transform_17(%arg0: i32) -> (i32, i32) {
    %c0_i32 = arith.constant 0 : i32
    %c0_i32_0 = arith.constant 0 : i32
    return %arg0, %c0_i32 : i32, i32
  }
}

</mosaic_0001>

<sc_bundles>
// kernel: kernel.6.cloned.1.call-start
scs
__scs_entry_jumppad:
0x0: {  	(pc) =	sbr.rel $0x88, $3  }
0x1: {  	(tag) =	ssettag $0x0;
	lr =	simm.s32 $0x1  }
0x2: {  	[smem:$0x3F81] =	sst lr;
	_ =	strace $0xD0000000  }
0x3: {  	_ = 	snop  }
0x4: {  	_ = 	snop  }
0x5: {  	_ = 	snop  }
0x6: {  	_ = 	snop  }
0x7: {  	_ = 	snop  }
__scs_overlays_trampoline_lowered:
0x8: {  	[smem:$0x3F90] =	sst s0  }
0x9: {  	[smem:$0x3F91] =	sst s1  }
0xa: {  	[smem:$0x3F92] =	sst s2  }
0xb: {  	[smem:$0x3F93] =	sst s3  }
0xc: {  	[smem:$0x3F94] =	sst s4  }
0xd: {  	[smem:$0x3F95] =	sst s5  }
0xe: {  	[smem:$0x3F96] =	sst s6  }
0xf: {  	[smem:$0x3F97] =	sst s7  }
0x10: {  	[smem:$0x3F98] =	sst s8  }
0x11: {  	[smem:$0x3F99] =	sst s9;
	s0 =	simm.s32 @!p0 $0x0  }
0x12: {  	s1 =	sld [smem:$0x3F7F];
	s0 =	simm.s32 @p0 $0x1  }
0x13: {  	[smem:$0x3F9A] =	sst s0;
	s0 =	simm.s32 @!p1 $0x0  }
0x14: {  	s2 =	sld [smem:$0x3F7E];
	s0 =	simm.s32 @p1 $0x1  }
0x15: {  	[smem:$0x3F9B] =	sst s0;
	s0 =	simm.s32 @!p2 $0x0  }
0x16: {  	s3 =	sld [smem:$0x3FDB];
	s0 =	simm.s32 @p2 $0x1  }
0x17: {  	s4 =	simm.s32 $0x1BF5;
	[smem:$0x3F9D] =	sst s0  }
0x18: {  	s0 =	sld [smem:$0x3F80];
	_ =	swait.ge [sflag:s4], $0x0  }
0x19: {  	s7 =	sld [smem:$0x3F81]  }
0x1a: {  	s8 =	sadd.s32 $0xFFFFE003, lr  }
0x1b: {  	s9 =	sadd.s32 $0xFFFFFEF7, lr;
	s5 =	simm.s32 $0xFFFFFFFF;
	p2 =	slt.u32 s8, $0xFFFFF086  }
0x1c: {  	p1 =	slt.u32 s9, $0xF7A;
	s5 =	simm.s32 @!p2 $0x0  }
0x1d: {  	s5 =	simm.s32 @p1 $0x1;
	p0 =	seq.s32 s7, s2  }
0x1e: {  	s7 =	smul.u32 @!p0 $0xF7A, s2;
	p2 =	seq.s32 @!p0 s5, $0x0  }
0x1f: {  	s9 =	smul.u32 $0xF7A, s1;
	s8 =	simm.s32 @!p0 $0x1BF5;
	p2 =	por !p2, p0  }
0x20: {  	[sflag:s8] =	ssyncset.s32 @!p0 $0xFFFFF086;
	s6 =	sadd.s32 @!p0 s3, s7;
	s7 =	simm.s32 @!p0 $0x108  }
0x21: {  	s3 =	sadd.s32 s3, s9;
	s6 =	sadd.s32 @!p0 $0x88, s6;
	s7 =	simm.s32 @p2 $0x1082  }
0x22: {  	[simem:s7], [sflag:s8] =	dma.local @!p0 [hbm:s6], $0xF7A  }
0x23: {  	s9 =	sor.u32 $0xD0000000, s2;
	s6 =	simm.s32 $0x108;
	_ =	swait.ge @!p0 [sflag:s8], $0x0  }
0x24: {  	s3 =	sadd.s32 $0x88, s3;
	s6 =	simm.s32 @!p1 $0x1082;
	[sflag:s4] =	ssyncset.s32 $0xFFFFF086  }
0x25: {  	[simem:s6], [sflag:s4] =	dma.local [hbm:s3], $0xF7A  }
0x26: {  	[smem:$0x3F81] =	sst s1;
	(tag) =	ssettag s2;
	_ =	strace s9  }
0x27: {  	s1 =	sld [smem:$0x3F91]  }
0x28: {  	s2 =	sld [smem:$0x3F92]  }
0x29: {  	s4 =	sld [smem:$0x3F94]  }
0x2a: {  	p0 =	seq.s32 s5, $0x0;
	s5 =	sld [smem:$0x3F95]  }
0x2b: {  	s6 =	sld [smem:$0x3F96]  }
0x2c: {  	s7 =	sld [smem:$0x3F97]  }
0x2d: {  	s3 =	simm.s32 $0x108;
	s8 =	sld [smem:$0x3F98]  }
0x2e: {  	s3 =	simm.s32 @!p0 $0x1082;
	s9 =	sld [smem:$0x3F99]  }
0x2f: {  	lr =	sadd.s32 s0, s3;
	s0 =	sld [smem:$0x3F90]  }
0x30: {  	s3 =	sld [smem:$0x3F93]  }
0x31: {  	[smem:$0x3F9C] =	sst s10  }
0x32: {  	s10 =	sld [smem:$0x3F9A];
	_ =	sdelay $0x3  }
0x33: {  	p0 =	seq.s32 s10, $0x1;
	s10 =	sld [smem:$0x3F9C];
	_ =	sdelay $0x3  }
0x34: {  	[smem:$0x3F9C] =	sst s10  }
0x35: {  	s10 =	sld [smem:$0x3F9B];
	_ =	sdelay $0x3  }
0x36: {  	p1 =	seq.s32 s10, $0x1;
	s10 =	sld [smem:$0x3F9C];
	_ =	sdelay $0x3  }
0x37: {  	[smem:$0x3F9C] =	sst s10  }
0x38: {  	s10 =	sld [smem:$0x3F9D]  }
0x39: {  	_ = 	snop;
	(pc) =	sbr.ind lr, $3  }
0x3a: {  	_ = 	snop  }
0x3b: {  	_ = 	snop  }
0x3c: {  	p2 =	seq.s32 s10, $0x1;
	s10 =	sld [smem:$0x3F9C]  }
0x3d: {  	_ =	shalt  }
0x3e: {  	_ =	shalt  }
0x3f: {  	_ =	shalt  }
0x40: {  	_ =	shalt  }
0x41: {  	_ =	shalt  }
0x42: {  	_ =	shalt  }
0x43: {  	_ =	shalt  }
0x44: {  	_ =	shalt  }
0x45: {  	_ =	shalt  }
0x46: {  	_ =	shalt  }
0x47: {  	_ =	shalt  }
0x48: {  	_ =	shalt  }
0x49: {  	_ =	shalt  }
0x4a: {  	_ =	shalt  }
0x4b: {  	_ =	shalt  }
0x4c: {  	_ =	shalt  }
0x4d: {  	_ =	shalt  }
0x4e: {  	_ =	shalt  }
0x4f: {  	_ =	shalt  }
0x50: {  	_ =	shalt  }
0x51: {  	_ =	shalt  }
0x52: {  	_ =	shalt  }
0x53: {  	_ =	shalt  }
0x54: {  	_ =	shalt  }
0x55: {  	_ =	shalt  }
0x56: {  	_ =	shalt  }
0x57: {  	_ =	shalt  }
0x58: {  	_ =	shalt  }
0x59: {  	_ =	shalt  }
0x5a: {  	_ =	shalt  }
0x5b: {  	_ =	shalt  }
0x5c: {  	_ =	shalt  }
0x5d: {  	_ =	shalt  }
0x5e: {  	_ =	shalt  }
0x5f: {  	_ =	shalt  }
0x60: {  	_ =	shalt  }
0x61: {  	_ =	shalt  }
0x62: {  	_ =	shalt  }
0x63: {  	_ =	shalt  }
0x64: {  	_ =	shalt  }
0x65: {  	_ =	shalt  }
0x66: {  	_ =	shalt  }
0x67: {  	_ =	shalt  }
0x68: {  	_ =	shalt  }
0x69: {  	_ =	shalt  }
0x6a: {  	_ =	shalt  }
0x6b: {  	_ =	shalt  }
0x6c: {  	_ =	shalt  }
0x6d: {  	_ =	shalt  }
0x6e: {  	_ =	shalt  }
0x6f: {  	_ =	shalt  }
0x70: {  	_ =	shalt  }
0x71: {  	_ =	shalt  }
0x72: {  	_ =	shalt  }
0x73: {  	_ =	shalt  }
0x74: {  	_ =	shalt  }
0x75: {  	_ =	shalt  }
0x76: {  	_ =	shalt  }
0x77: {  	_ =	shalt  }
0x78: {  	_ =	shalt  }
0x79: {  	_ =	shalt  }
0x7a: {  	_ =	shalt  }
0x7b: {  	_ =	shalt  }
0x7c: {  	_ =	shalt  }
0x7d: {  	_ =	shalt  }
0x7e: {  	_ =	shalt  }
0x7f: {  	_ =	shalt  }
0x80: {  	_ =	shalt  }
0x81: {  	_ =	shalt  }
0x82: {  	_ =	shalt  }
0x83: {  	_ =	shalt  }
0x84: {  	_ =	shalt  }
0x85: {  	_ =	shalt  }
0x86: {  	_ =	shalt  }
0x87: {  	_ =	shalt  }
.Lfunc_end0:
.L_simem_size_0:
called_computation_lowered:
.L_overlay_start_0:
0x88: {  	s2 =	sld [smem:$0x3FD9]  }
0x89: {  	s3 =	sld [smem:$0x3FFE];
	_ =	sdelay $0x1  }
0x8a: {  	s1 =	srdreg.scid  }
0x8b: {  	s0 =	sand.u32 $0x1, s1  }
0x8c: {  	s16 =	sshll.u32 s0, $0xA;
	s2 =	sadd.s32 s3, s2  }
0x8d: {  	s2 =	sadd.s32 s2, s16  }
0x8e: {  	[smem:$0x3FA8] =	sst s2  }
0x8f: {  	_ = 	snop  }
0x90: {  	(tm) =	ssettm $0x1  }
0x91: {  	s17 =	sld [smem:$0x3FFB];
	_ =	sdelay $0x3  }
0x92: {  	_ =	strace s17  }
0x93: {  	s2 =	sld [smem:$0x3FFC];
	_ =	sdelay $0x3  }
0x94: {  	_ =	strace s2  }
0x95: {  	s2 =	sld [smem:$0x3FFD];
	_ =	sdelay $0x3  }
0x96: {  	_ =	strace s2  }
0x97: {  	_ =	strace $0x8FFFFFFF  }
0x98: {  	s18 =	sld [smem:$0x3FDB];
	_ =	sdelay $0x1  }
0x99: {  	s19 =	simm.s32 $_scs_section_size  }
0x9a: {  	s4 =	simm.s32 $_size__tile_overlayer_lowered;
	s5 =	simm.s32 $_tile_overlayer_lowered  }
0x9b: {  	s22 =	simm.s32 $0x1BFF;
	s21 =	sshll.u32 s5, $0x1;
	s2 =	sadd.s32 s19, s18  }
0x9c: {  	s6 =	simm.s32 $0x0;
	s20 =	sshll.u32 s4, $0x1;
	s4 =	sadd.s32 s21, s2  }
0x9d: {  	[timem:s6], [sflag:s22] =	dma.local [hbm:s4], s20  }
0x9e: {  	_ =	swait.ge [sflag:s22], s20  }
0x9f: {  	s3 =	ssub.s32 $0x0, s20;
	[sflag:s22] =	ssyncset.done $0x0  }
0xa0: {  	[sflag:s22] =	ssyncadd.s32 s3;
	_ =	sdelay $0x1  }
0xa1: {  	s23 =	simm.s32 $0x1B8B  }
0xa2: {  	_ =	swait.ge [sflag:s23], $0x1  }
0xa3: {  	[sflag:s23] =	ssyncset.done $0x0  }
0xa4: {  	s25 =	simm.s32 $0x1B8E;
	s24 =	sld [smem:$0x3FFE];
	[sflag:s23] =	ssyncadd.s32 $0xFFFFFFFF  }
0xa5: {  	s26 =	simm.s32 $execute0_lowered;
	[smem:$0x3FD2] =	sst s25  }
0xa6: {  	s4 =	sshll.u32 s26, $0x1;
	_ =	strace $0x80000046;
	[dreg:$0x1] =	wrdreg $0xFFFFFFFF  }
0xa7: {  	s28 =	simm.s32 $_size_execute0_lowered;
	s2 =	sadd.s32 s2, s4;
	[dreg:$0x0] =	wrdreg $0x0  }
0xa8: {  	s4 =	sshll.u32 s28, $0x1;
	[dreg:$0x2] =	wrdreg s2  }
0xa9: {  	[dreg:$0x3] =	wrdreg s4  }
0xaa: {  	[dreg:$0x4] =	wrdreg $0xC0  }
0xab: {  	_ =	task [dreg:s6], $0x5FFFF  }
0xac: {  	[dreg:$0x1] =	wrdreg $0xFFFFFFFF  }
0xad: {  	[dreg:$0x0] =	wrdreg $0x60  }
0xae: {  	[dreg:$0x2] =	wrdreg s24  }
0xaf: {  	[dreg:$0x3] =	wrdreg $0x9  }
0xb0: {  	_ =	task.clear_ibuf [dreg:s6], $0x4FFFF;
	_ =	strace $0x90000046  }
0xb1: {  	s29 =	simm.s32 $0x9;
	_ =	strace $0x80000048  }
0xb2: {  	_ =	swait.ge [sflag:s29], $0x1  }
0xb3: {  	[sflag:s29] =	ssyncadd.s32 $0xFFFFFFFF  }
0xb4: {  	_ =	strace $0x90000048  }
0xb5: {  	_ =	sfence  }
0xb6: {  	s30 =	sld [smem:$0x0];
	_ =	sdelay $0x2  }
0xb7: {  	s31 =	sshll.u32 s1, $0xD;
	s1 =	sshrl.u32 s1, $0x2  }
0xb8: {  	s3 =	sand.u32 $0x4000, s31;
	s1 =	sadd.s32 s1, s30  }
0xb9: {  	s0 =	sor.u32 s3, s0;
	s1 =	sshll.u32 s1, $0x11  }
0xba: {  	s0 =	sor.u32 s1, s0  }
0xbb: {  	s0 =	sadd.s32 $0x8F2B, s0  }
0xbc: {  	[sflag:s0] =	ssyncadd.remote.s32 $0x1  }
0xbd: {  	_ =	sfence.sel $0xFFFF  }
0xbe: {  	[dreg:$0x0] =	wrdreg $0xFFFFFFFF;
	(pc) =	sbr.abs _section_cstart, $3  }
0xbf: {  	[dreg:$0x1] =	wrdreg $0xFFFFFFFF  }
0xc0: {  	_ =	task.clear_ibuf [dreg:s6], $0x2FFFF;
	_ =	strace $0x9FFFFFFF  }
0xc1: {  	(tm) =	ssettm $0x7FFFFFFF  }
tec
execute0_lowered:
.L_overlay_start_1:
0x0: {  	(tag) =	ssettag $0x1  }
0x1: {  	s0 =	srdreg.scid;
	s6 =	stileid.u32  }
0x2: {  	s1 =	sand.u32 $0x1, s0;
	s16 =	smul.u32 $0x1880, s6  }
0x3: {  	s2 =	smul.u32 $0xC40, s1;
	_ =	sdelay $0x1  }
0x4: {  	s3 =	sadd.s32 s2, s16  }
0x5: {  	s2 =	sor.u32 $0x20, s3  }
0x6: {  	s0 =	rddreg [dreg:$0x0];
	s4 =	sshrl.u32 s2, $0x3;
	s2 =	simm.s32 $0x0  }
0x7: {  	s17 =	simm.s32 $0x1480;
	[smem:$0x7FF] =	sst s2  }
0x8: {  	s18 =	simm.s32 $0x1C80;
	_ =	strace $0x80000047;
	[dreg:$0x4] =	wrdreg s17  }
0x9: {  	s19 =	simm.s32 $0x2480;
	[dreg:$0x5] =	wrdreg s18  }
0xa: {  	s20 =	simm.s32 $0x2C80;
	[dreg:$0x6] =	wrdreg s19  }
0xb: {  	s21 =	simm.s32 $0x3480;
	[dreg:$0x7] =	wrdreg s20  }
0xc: {  	s22 =	simm.s32 $0x3C80;
	[dreg:$0x8] =	wrdreg s21  }
0xd: {  	s23 =	simm.s32 $0x4480;
	[dreg:$0x9] =	wrdreg s22  }
0xe: {  	s24 =	simm.s32 $0x4C80;
	[dreg:$0xa] =	wrdreg s23  }
0xf: {  	s25 =	simm.s32 $0x5480;
	[dreg:$0xb] =	wrdreg s24  }
0x10: {  	s26 =	simm.s32 $0x5C80;
	[dreg:$0xc] =	wrdreg s25  }
0x11: {  	s7 =	simm.s32 $0x7480;
	[dreg:$0xd] =	wrdreg s26  }
0x12: {  	s8 =	simm.s32 $0x7C80;
	s9 =	simm.s32 $0x8480;
	[dreg:$0x10] =	wrdreg s7  }
0x13: {  	s11 =	simm.s32 $0x8C80;
	s12 =	simm.s32 $0x9480;
	[dreg:$0x11] =	wrdreg s8  }
0x14: {  	s13 =	simm.s32 $0x9C80;
	s14 =	simm.s32 $0xA480;
	[dreg:$0x12] =	wrdreg s9  }
0x15: {  	s15 =	simm.s32 $0xAC80;
	s28 =	simm.s32 $0x2;
	[dreg:$0x13] =	wrdreg s11  }
0x16: {  	s29 =	simm.s32 $0x3;
	s30 =	simm.s32 $0x4;
	[dreg:$0x14] =	wrdreg s12  }
0x17: {  	s31 =	simm.s32 $0x0;
	s3 =	sshrl.u32 s3, $0x3;
	[dreg:$0x15] =	wrdreg s13  }
0x18: {  	s10 =	sshll.u32 s6, $0x1;
	s3 =	smul.u32 $0x600, s3;
	[dreg:$0x16] =	wrdreg s14  }
0x19: {  	s5 =	sadd.s32 $0xCA800, s0;
	s16 =	simm.s32 $0xB480;
	[dreg:$0x17] =	wrdreg s15  }
0x1a: {  	s6 =	sadd.s32 $0x6AA00, s0;
	s3 =	sadd.s32 s3, s5;
	[dreg:$0x18] =	wrdreg s16  }
0x1b: {  	s4 =	smul.u32 $0x600, s4;
	s17 =	simm.s32 $0xBC80;
	[dreg:$0x3] =	wrdreg s3  }
0x1c: {  	s19 =	simm.s32 $0xC480;
	s20 =	simm.s32 $0xD480;
	[dreg:$0x19] =	wrdreg s17  }
0x1d: {  	s21 =	simm.s32 $0xDC80;
	s7 =	simm.s32 $0xE480;
	[dreg:$0x1a] =	wrdreg s19  }
0x1e: {  	s8 =	simm.s32 $0xEC80;
	s9 =	simm.s32 $0xF480;
	[dreg:$0x1b] =	wrdreg s20  }
0x1f: {  	s22 =	simm.s32 $0x10480;
	s23 =	simm.s32 $0x10C80;
	[dreg:$0x1c] =	wrdreg s21  }
0x20: {  	s11 =	simm.s32 $0x5;
	s24 =	simm.s32 $0x11480;
	[dreg:$0x1d] =	wrdreg s7  }
0x21: {  	s12 =	simm.s32 $0xC80;
	s25 =	simm.s32 $0x11C80;
	[dreg:$0x1e] =	wrdreg s8  }
0x22: {  	s13 =	simm.s32 $0xCC80;
	s26 =	simm.s32 $0x12480;
	[dreg:$0x1f] =	wrdreg s9  }
0x23: {  	s14 =	simm.s32 $0x12C80;
	s15 =	simm.s32 $0x13480;
	[smem:$0x7F9] =	sst s22  }
0x24: {  	s16 =	simm.s32 $0x13C80;
	s4 =	sadd.s32 s4, s5;
	[smem:$0x7FA] =	sst s23  }
0x25: {  	s5 =	simm.s32 $0x6C80;
	s3 =	sadd.s32 $0x6A800, s0;
	[smem:$0x7FB] =	sst s24  }
0x26: {  	s7 =	sadd.s32 $0x6AB00, s0;
	s8 =	sadd.s32 $0x6AC00, s0;
	[smem:$0x7FC] =	sst s25  }
0x27: {  	s9 =	sadd.s32 $0x6AD00, s0;
	[smem:$0x7FD] =	sst s26;
	s17 =	simm.s32 $0x14480  }
0x28: {  	s19 =	simm.s32 $0x15480;
	s20 =	simm.s32 $0x15C80;
	s21 =	simm.s32 $0x16480  }
0x29: {  	s22 =	simm.s32 $0x16C80;
	[dreg:$0x2] =	wrdreg s4;
	s4 =	simm.s32 $0x6480  }
0x2a: {  	s23 =	simm.s32 $0x17480;
	[dreg:$0xe] =	wrdreg s4;
	s4 =	sor.u32 s1, s10  }
0x2b: {  	s24 =	simm.s32 $0x17C80;
	s1 =	ssub.s32 $0x2, s1;
	s4 =	smul.u32 $0xC40, s4  }
0x2c: {  	s25 =	simm.s32 $0x18480;
	[dreg:$0xf] =	wrdreg s5;
	s18 =	sshrl.u32 s1, $0x1  }
0x2d: {  	s10 =	simm.s32 $0xFC80;
	s1 =	ssub.s32 s1, s18;
	s4 =	sshrl.u32 s4, $0x3  }
0x2e: {  	v2 =	vlaneseq.u32;
	[smem:$0x7F7] =	sst s10;
	s1 =	smax.u32 s1, $0x1;
	s4 =	sadd.s32 s4, s0  }
0x2f: {  	vm0 =	vmmov $0xffff;
	v1 =	vshrl.u32 v2, $0x3;
	s26 =	simm.s32 $0x1;
	[smem:$0x7F8] =	sst s1;
	s4 =	sadd.s32 $0x67600, s4  }
0x30: {  	v0 =	vand.u32 $0x7, v2;
	v2 =	vor.u32 $0x8, v2;
	v1 =	vmul.u32 $0x8, v1;
	s5 =	sadd.s32 $0x6A900, s0;
	s18 =	simm.s32 $0x14C80;
	[smem:$0x7F6] =	sst s4  }
.LBB2_1:
0x31: {  	s0 =	sld [smem:$0x7F6];
	_ =	sdelay $0x2  }
0x32: {  	[tilespmem:s2], [sflag:$0x5] =	stream.linear.gather [hbm4b:s0+s2], $0xC40, $0x38;
	[tilespmem:$0x18C80] =	vst v63  }
0x33: {  	_ =	swait.ge [sflag:s11], $0xC40  }
0x34: {  	[sflag:s11] =	ssyncset.done $0x0  }
0x35: {  	s1 =	simm.s32 $0x20;
	s0 =	simm.s32 $0x0;
	[sflag:s11] =	ssyncadd.s32 $0xFFFFF3C0  }
.LBB2_2:
0x36: {  	v3 =	vld [tilespmem:s1+$0xFFFFFFE0];
	_ =	sdelay $0x4  }
0x37: {  	v4 =	vshrl.u32 v3, $0x3  }
0x38: {  	v4 =	vmul.u32 $0x60, v4  }
0x39: {  	v3 =	vand.u32 $0x7, v3  }
0x3a: {  	v3 =	vor.u32 v3, v4  }
0x3b: {  	v4 =	vperm.xlane v3, v0;
	_ =	sdelay $0x1  }
0x3c: {  	v4 =	vadd.s32 v1, v4;
	_ =	sdelay $0x4  }
0x3d: {  	[tilespmem:s12], [sflag:$0x1] =	stream.indirect_vreg.gather [hbm4b:s3+s2], $0x80, v4, vm0, $0xb8;
	[tilespmem:$0x18C80] =	vst v63  }
0x3e: {  	s4 =	rddreg [dreg:$0x4]  }
0x3f: {  	[tilespmem:s4], [sflag:$0x1] =	stream.indirect_vreg.gather [hbm4b:s5+s2], $0x80, v4, vm0, $0xb8;
	[tilespmem:$0x18C80] =	vst v63  }
0x40: {  	s10 =	rddreg [dreg:$0x5]  }
0x41: {  	[tilespmem:s10], [sflag:$0x1] =	stream.indirect_vreg.gather [hbm4b:s6+s2], $0x80, v4, vm0, $0xb8;
	[tilespmem:$0x18C80] =	vst v63  }
0x42: {  	v3 =	vperm.xlane v3, v2;
	s4 =	rddreg [dreg:$0x6]  }
0x43: {  	[tilespmem:s4], [sflag:$0x1] =	stream.indirect_vreg.gather [hbm4b:s7+s2], $0x80, v4, vm0, $0xb8;
	[tilespmem:$0x18C80] =	vst v63  }
0x44: {  	v3 =	vadd.s32 v1, v3;
	s10 =	rddreg [dreg:$0x7]  }
0x45: {  	[tilespmem:s10], [sflag:$0x1] =	stream.indirect_vreg.gather [hbm4b:s8+s2], $0x80, v4, vm0, $0xb8;
	[tilespmem:$0x18C80] =	vst v63  }
0x46: {  	s4 =	rddreg [dreg:$0x8]  }
0x47: {  	[tilespmem:s4], [sflag:$0x1] =	stream.indirect_vreg.gather [hbm4b:s9+s2], $0x80, v4, vm0, $0xb8;
	[tilespmem:$0x18C80] =	vst v63  }
0x48: {  	s10 =	rddreg [dreg:$0x9]  }
0x49: {  	[tilespmem:s10], [sflag:$0x1] =	stream.indirect_vreg.gather [hbm4b:s3+s2], $0x80, v3, vm0, $0xb8;
	[tilespmem:$0x18C80] =	vst v63  }
0x4a: {  	s4 =	rddreg [dreg:$0xa]  }
0x4b: {  	[tilespmem:s4], [sflag:$0x1] =	stream.indirect_vreg.gather [hbm4b:s5+s2], $0x80, v3, vm0, $0xb8;
	[tilespmem:$0x18C80] =	vst v63  }
0x4c: {  	s10 =	rddreg [dreg:$0xb]  }
0x4d: {  	[tilespmem:s10], [sflag:$0x1] =	stream.indirect_vreg.gather [hbm4b:s6+s2], $0x80, v3, vm0, $0xb8;
	[tilespmem:$0x18C80] =	vst v63  }
0x4e: {  	s4 =	rddreg [dreg:$0xc]  }
0x4f: {  	[tilespmem:s4], [sflag:$0x1] =	stream.indirect_vreg.gather [hbm4b:s7+s2], $0x80, v3, vm0, $0xb8;
	[tilespmem:$0x18C80] =	vst v63  }
0x50: {  	s10 =	rddreg [dreg:$0xd]  }
0x51: {  	[tilespmem:s10], [sflag:$0x1] =	stream.indirect_vreg.gather [hbm4b:s8+s2], $0x80, v3, vm0, $0xb8;
	[tilespmem:$0x18C80] =	vst v63  }
0x52: {  	s4 =	rddreg [dreg:$0xe]  }
0x53: {  	[tilespmem:s4], [sflag:$0x1] =	stream.indirect_vreg.gather [hbm4b:s9+s2], $0x80, v3, vm0, $0xb8;
	[tilespmem:$0x18C80] =	vst v63  }
0x54: {  	v3 =	vld [tilespmem:s1+$0xFFFFFFF0];
	_ =	sdelay $0x4  }
0x55: {  	v61 =	vshrl.u32 v3, $0x3  }
0x56: {  	v4 =	vmul.u32 $0x60, v61  }
0x57: {  	v3 =	vand.u32 $0x7, v3  }
0x58: {  	v3 =	vor.u32 v3, v4  }
0x59: {  	v4 =	vperm.xlane v3, v0;
	_ =	sdelay $0x1  }
0x5a: {  	v4 =	vadd.s32 v1, v4;
	_ =	sdelay $0x3  }
0x5b: {  	s4 =	rddreg [dreg:$0xf]  }
0x5c: {  	[tilespmem:s4], [sflag:$0x1] =	stream.indirect_vreg.gather [hbm4b:s3+s2], $0x80, v4, vm0, $0xb8;
	[tilespmem:$0x18C80] =	vst v63  }
0x5d: {  	s10 =	rddreg [dreg:$0x10]  }
0x5e: {  	[tilespmem:s10], [sflag:$0x1] =	stream.indirect_vreg.gather [hbm4b:s5+s2], $0x80, v4, vm0, $0xb8;
	[tilespmem:$0x18C80] =	vst v63  }
0x5f: {  	s4 =	rddreg [dreg:$0x11]  }
0x60: {  	[tilespmem:s4], [sflag:$0x1] =	stream.indirect_vreg.gather [hbm4b:s6+s2], $0x80, v4, vm0, $0xb8;
	[tilespmem:$0x18C80] =	vst v63  }
0x61: {  	v3 =	vperm.xlane v3, v2;
	s10 =	rddreg [dreg:$0x12]  }
0x62: {  	[tilespmem:s10], [sflag:$0x1] =	stream.indirect_vreg.gather [hbm4b:s7+s2], $0x80, v4, vm0, $0xb8;
	[tilespmem:$0x18C80] =	vst v63  }
0x63: {  	v3 =	vadd.s32 v1, v3;
	s4 =	rddreg [dreg:$0x13]  }
0x64: {  	[tilespmem:s4], [sflag:$0x1] =	stream.indirect_vreg.gather [hbm4b:s8+s2], $0x80, v4, vm0, $0xb8;
	[tilespmem:$0x18C80] =	vst v63  }
0x65: {  	s10 =	rddreg [dreg:$0x14]  }
0x66: {  	[tilespmem:s10], [sflag:$0x1] =	stream.indirect_vreg.gather [hbm4b:s9+s2], $0x80, v4, vm0, $0xb8;
	[tilespmem:$0x18C80] =	vst v63  }
0x67: {  	s4 =	rddreg [dreg:$0x15]  }
0x68: {  	[tilespmem:s4], [sflag:$0x1] =	stream.indirect_vreg.gather [hbm4b:s3+s2], $0x80, v3, vm0, $0xb8;
	[tilespmem:$0x18C80] =	vst v63  }
0x69: {  	s10 =	rddreg [dreg:$0x16]  }
0x6a: {  	[tilespmem:s10], [sflag:$0x1] =	stream.indirect_vreg.gather [hbm4b:s5+s2], $0x80, v3, vm0, $0xb8;
	[tilespmem:$0x18C80] =	vst v63  }
0x6b: {  	s4 =	rddreg [dreg:$0x17]  }
0x6c: {  	[tilespmem:s4], [sflag:$0x1] =	stream.indirect_vreg.gather [hbm4b:s6+s2], $0x80, v3, vm0, $0xb8;
	[tilespmem:$0x18C80] =	vst v63  }
0x6d: {  	s10 =	rddreg [dreg:$0x18]  }
0x6e: {  	[tilespmem:s10], [sflag:$0x1] =	stream.indirect_vreg.gather [hbm4b:s7+s2], $0x80, v3, vm0, $0xb8;
	[tilespmem:$0x18C80] =	vst v63  }
0x6f: {  	s4 =	rddreg [dreg:$0x19]  }
0x70: {  	[tilespmem:s4], [sflag:$0x1] =	stream.indirect_vreg.gather [hbm4b:s8+s2], $0x80, v3, vm0, $0xb8;
	[tilespmem:$0x18C80] =	vst v63  }
0x71: {  	s10 =	rddreg [dreg:$0x1a]  }
0x72: {  	[tilespmem:s10], [sflag:$0x1] =	stream.indirect_vreg.gather [hbm4b:s9+s2], $0x80, v3, vm0, $0xb8;
	[tilespmem:$0x18C80] =	vst v63  }
0x73: {  	v3 =	vld [tilespmem:s1+$0x0];
	_ =	sdelay $0x4  }
0x74: {  	v62 =	vshrl.u32 v3, $0x3  }
0x75: {  	v4 =	vmul.u32 $0x60, v62  }
0x76: {  	v3 =	vand.u32 $0x7, v3  }
0x77: {  	v3 =	vor.u32 v3, v4  }
0x78: {  	v4 =	vperm.xlane v3, v0;
	_ =	sdelay $0x1  }
0x79: {  	v4 =	vadd.s32 v1, v4;
	_ =	sdelay $0x3  }
0x7a: {  	s4 =	rddreg [dreg:$0x1b]  }
0x7b: {  	[tilespmem:s13], [sflag:$0x2] =	stream.indirect_vreg.gather [hbm4b:s3+s2], $0x80, v4, vm0, $0xb8;
	[tilespmem:$0x18C80] =	vst v63  }
0x7c: {  	s10 =	rddreg [dreg:$0x1c]  }
0x7d: {  	[tilespmem:s4], [sflag:$0x2] =	stream.indirect_vreg.gather [hbm4b:s5+s2], $0x80, v4, vm0, $0xb8;
	[tilespmem:$0x18C80] =	vst v63  }
0x7e: {  	s4 =	rddreg [dreg:$0x1d]  }
0x7f: {  	[tilespmem:s10], [sflag:$0x2] =	stream.indirect_vreg.gather [hbm4b:s6+s2], $0x80, v4, vm0, $0xb8;
	[tilespmem:$0x18C80] =	vst v63  }
0x80: {  	v3 =	vperm.xlane v3, v2;
	s10 =	rddreg [dreg:$0x1e]  }
0x81: {  	[tilespmem:s4], [sflag:$0x2] =	stream.indirect_vreg.gather [hbm4b:s7+s2], $0x80, v4, vm0, $0xb8;
	[tilespmem:$0x18C80] =	vst v63  }
0x82: {  	v3 =	vadd.s32 v1, v3;
	s4 =	rddreg [dreg:$0x1f]  }
0x83: {  	[tilespmem:s10], [sflag:$0x2] =	stream.indirect_vreg.gather [hbm4b:s8+s2], $0x80, v4, vm0, $0xb8;
	[tilespmem:$0x18C80] =	vst v63  }
0x84: {  	s10 =	sld [smem:$0x7F7]  }
0x85: {  	[tilespmem:s4], [sflag:$0x2] =	stream.indirect_vreg.gather [hbm4b:s9+s2], $0x80, v4, vm0, $0xb8;
	[tilespmem:$0x18C80] =	vst v63  }
0x86: {  	s4 =	sld [smem:$0x7F9]  }
0x87: {  	[tilespmem:s10], [sflag:$0x2] =	stream.indirect_vreg.gather [hbm4b:s3+s2], $0x80, v3, vm0, $0xb8;
	[tilespmem:$0x18C80] =	vst v63  }
0x88: {  	s10 =	sld [smem:$0x7FA]  }
0x89: {  	[tilespmem:s4], [sflag:$0x2] =	stream.indirect_vreg.gather [hbm4b:s5+s2], $0x80, v3, vm0, $0xb8;
	[tilespmem:$0x18C80] =	vst v63  }
0x8a: {  	s4 =	sld [smem:$0x7FB]  }
0x8b: {  	[tilespmem:s10], [sflag:$0x2] =	stream.indirect_vreg.gather [hbm4b:s6+s2], $0x80, v3, vm0, $0xb8;
	[tilespmem:$0x18C80] =	vst v63  }
0x8c: {  	s10 =	sld [smem:$0x7FC]  }
0x8d: {  	[tilespmem:s4], [sflag:$0x2] =	stream.indirect_vreg.gather [hbm4b:s7+s2], $0x80, v3, vm0, $0xb8;
	[tilespmem:$0x18C80] =	vst v63  }
0x8e: {  	s4 =	sld [smem:$0x7FD]  }
0x8f: {  	[tilespmem:s10], [sflag:$0x2] =	stream.indirect_vreg.gather [hbm4b:s8+s2], $0x80, v3, vm0, $0xb8;
	[tilespmem:$0x18C80] =	vst v63  }
0x90: {  	_ = 	snop  }
0x91: {  	[tilespmem:s4], [sflag:$0x2] =	stream.indirect_vreg.gather [hbm4b:s9+s2], $0x80, v3, vm0, $0xb8;
	[tilespmem:$0x18C80] =	vst v63  }
0x92: {  	v3 =	vld [tilespmem:s1+$0x10];
	_ =	sdelay $0x4  }
0x93: {  	v63 =	vshrl.u32 v3, $0x3  }
0x94: {  	v4 =	vmul.u32 $0x60, v63  }
0x95: {  	v3 =	vand.u32 $0x7, v3  }
0x96: {  	v3 =	vor.u32 v3, v4  }
0x97: {  	v4 =	vperm.xlane v3, v0;
	_ =	sdelay $0x1  }
0x98: {  	v4 =	vadd.s32 v1, v4;
	_ =	sdelay $0x4  }
0x99: {  	[tilespmem:s14], [sflag:$0x2] =	stream.indirect_vreg.gather [hbm4b:s3+s2], $0x80, v4, vm0, $0xb8;
	[tilespmem:$0x18C80] =	vst v63  }
0x9a: {  	_ = 	snop  }
0x9b: {  	[tilespmem:s15], [sflag:$0x2] =	stream.indirect_vreg.gather [hbm4b:s5+s2], $0x80, v4, vm0, $0xb8;
	[tilespmem:$0x18C80] =	vst v63  }
0x9c: {  	_ = 	snop  }
0x9d: {  	[tilespmem:s16], [sflag:$0x2] =	stream.indirect_vreg.gather [hbm4b:s6+s2], $0x80, v4, vm0, $0xb8;
	[tilespmem:$0x18C80] =	vst v63  }
0x9e: {  	v3 =	vperm.xlane v3, v2  }
0x9f: {  	[tilespmem:s17], [sflag:$0x2] =	stream.indirect_vreg.gather [hbm4b:s7+s2], $0x80, v4, vm0, $0xb8;
	[tilespmem:$0x18C80] =	vst v63  }
0xa0: {  	v3 =	vadd.s32 v1, v3  }
0xa1: {  	[tilespmem:s18], [sflag:$0x2] =	stream.indirect_vreg.gather [hbm4b:s8+s2], $0x80, v4, vm0, $0xb8;
	[tilespmem:$0x18C80] =	vst v63  }
0xa2: {  	_ = 	snop  }
0xa3: {  	[tilespmem:s19], [sflag:$0x2] =	stream.indirect_vreg.gather [hbm4b:s9+s2], $0x80, v4, vm0, $0xb8;
	[tilespmem:$0x18C80] =	vst v63  }
0xa4: {  	_ = 	snop  }
0xa5: {  	[tilespmem:s20], [sflag:$0x2] =	stream.indirect_vreg.gather [hbm4b:s3+s2], $0x80, v3, vm0, $0xb8;
	[tilespmem:$0x18C80] =	vst v63  }
0xa6: {  	_ = 	snop  }
0xa7: {  	[tilespmem:s21], [sflag:$0x2] =	stream.indirect_vreg.gather [hbm4b:s5+s2], $0x80, v3, vm0, $0xb8;
	[tilespmem:$0x18C80] =	vst v63  }
0xa8: {  	_ = 	snop  }
0xa9: {  	[tilespmem:s22], [sflag:$0x2] =	stream.indirect_vreg.gather [hbm4b:s6+s2], $0x80, v3, vm0, $0xb8;
	[tilespmem:$0x18C80] =	vst v63  }
0xaa: {  	_ = 	snop  }
0xab: {  	[tilespmem:s23], [sflag:$0x2] =	stream.indirect_vreg.gather [hbm4b:s7+s2], $0x80, v3, vm0, $0xb8;
	[tilespmem:$0x18C80] =	vst v63  }
0xac: {  	_ = 	snop  }
0xad: {  	[tilespmem:s24], [sflag:$0x2] =	stream.indirect_vreg.gather [hbm4b:s8+s2], $0x80, v3, vm0, $0xb8;
	[tilespmem:$0x18C80] =	vst v63  }
0xae: {  	_ = 	snop  }
0xaf: {  	[tilespmem:s25], [sflag:$0x2] =	stream.indirect_vreg.gather [hbm4b:s9+s2], $0x80, v3, vm0, $0xb8;
	[tilespmem:$0x18C80] =	vst v63  }
0xb0: {  	_ =	swait.ge [sflag:s26], $0xC000  }
0xb1: {  	s10 =	rddreg [dreg:$0x3];
	[sflag:s26] =	ssyncset.done $0x0  }
0xb2: {  	[sflag:s26] =	ssyncadd.s32 $0xFFFF4000;
	s4 =	sadd.s32 s0, s10  }
0xb3: {  	[hbm4b:s4+s2] =	stream.linear.scatter [tilespmem:s12], [sflag:$0x3], $0xC000, $0x38;
	[tilespmem:$0x18C80] =	vst v63  }
0xb4: {  	_ =	swait.ge [sflag:s28], $0xC000  }
0xb5: {  	s10 =	rddreg [dreg:$0x2];
	[sflag:s28] =	ssyncset.done $0x0  }
0xb6: {  	[sflag:s28] =	ssyncadd.s32 $0xFFFF4000;
	s4 =	sadd.s32 s0, s10  }
0xb7: {  	[hbm4b:s4+s2] =	stream.linear.scatter [tilespmem:s13], [sflag:$0x4], $0xC000, $0x38;
	[tilespmem:$0x18C80] =	vst v63  }
0xb8: {  	p0 =	sne.s32 s0, $0x90000;
	_ =	swait.ge [sflag:s29], $0xC000  }
.Ltmp0:
0xb9: {  	[sflag:s29] =	ssyncset.done $0x0;
	(pc) =	sbr.rel @p0 .LBB2_2-.Ltmp0, $4  }
0xba: {  	[sflag:s29] =	ssyncadd.s32 $0xFFFF4000  }
0xbb: {  	_ =	swait.ge [sflag:s30], $0xC000  }
0xbc: {  	[sflag:s30] =	ssyncset.done $0x0  }
0xbd: {  	s1 =	sadd.s32 $0x40, s1;
	s0 =	sadd.s32 $0x3000, s0;
	[sflag:s30] =	ssyncadd.s32 $0xFFFF4000  }
0xbe: {  	s0 =	sld [smem:$0x7F8];
	_ =	sdelay $0x1  }
0xbf: {  	s31 =	sadd.s32 $0x1, s31  }
0xc0: {  	p0 =	sne.s32 s31, s0  }
.Ltmp1:
0xc1: {  	_ = 	snop;
	(pc) =	sbr.rel @p0 .LBB2_1-.Ltmp1, $1  }
0xc2: {  	_ =	sdelay $0x3  }
0xc3: {  	_ =	sfence.sel $0x180000  }
0xc4: {  	[bflag:$0x0] =	sbarrier.arrive $0xFFFF  }
0xc5: {  	_ =	strace $0x90000047  }
0xc6: {  	s0 =	stileid.u32;
	[bflag:$0x2] =	sbarrier.arrive $0xFFFF  }
0xc7: {  	p0 =	sne.s32 s0, $0x0;
	s0 =	rddreg [dreg:$0x1]  }
0xc8: {  	s0 =	sadd.s32 @!p0 $0x100000, s0  }
0xc9: {  	[sflag:s0] =	ssyncadd.tile.s32 @!p0 $0x1;
	_ =	shalt  }
.Lfunc_end2:
_tile_overlayer_lowered:
.L_overlay_start_2:
0xca: {  	(tag) =	ssettag $0x2  }
0xcb: {  	s0 =	rddreg [dreg:$0x0];
	s2 =	stileid.u32  }
0xcc: {  	s1 =	rddreg [dreg:$0x1];
	p0 =	sne.s32 s2, $0x0  }
0xcd: {  	s3 =	rddreg [dreg:$0x2];
	[bflag:$0x3] =	sbarrier.arrive $0xFFFF;
	s2 =	simm.s32 @!p0 $0x1C05  }
0xce: {  	[timem:s3], [sflag:s2] =	dma.local @!p0 [hbm:s0], s1  }
0xcf: {  	s0 =	simm.s32 @!p0 $0x5  }
0xd0: {  	_ =	swait.ge @!p0 [sflag:s0], s1  }
0xd1: {  	s1 =	ssub.s32 @!p0 $0x0, s1;
	[sflag:s0] =	ssyncset.done @!p0 $0x0  }
0xd2: {  	[sflag:s0] =	ssyncadd.s32 @!p0 s1  }
0xd3: {  	[bflag:$0x3] =	sbarrier.arrive $0xFFFF  }
0xd4: {  	_ =	shalt  }

</sc_bundles>
